<compile_context>
chip_gen: v7x
topology: tpu7x:2x2x1
jax: 0.10.2.dev20260603
libtpu: 0.0.44.dev20260713+nightly
codegen_flags: <defaults>
</compile_context>

<pallas_src>
import functools

import jax
import jax.numpy as jnp
from jax import lax
from jax.experimental import pallas as pl
from jax.experimental.pallas import tpu as pltpu
from jax.experimental.pallas import tpu_sc as plsc

D = 128
B = 16384
L = 16
NC, NS = 2, 16
NW = NC * NS
BPW = B // NW
CHUNK = 128
NCHUNK = BPW // CHUNK


def _build():
    mesh = plsc.VectorSubcoreMesh(core_axis_name="c", subcore_axis_name="s")

    @functools.partial(
        pl.kernel,
        mesh=mesh,
        out_type=jax.ShapeDtypeStruct((B, D), jnp.float32),
        scratch_types=(
            [pltpu.VMEM((NCHUNK, CHUNK), jnp.int32)]
            + [pltpu.VMEM((CHUNK, D), jnp.float32)] * NCHUNK
            + [pltpu.SemaphoreType.DMA] * (2 * NCHUNK)
        ),
    )
    def gather_sigmoid(table_hbm, idx_hbm, out_hbm, idx_v, *scr):
        bufs = scr[:NCHUNK]
        gsems = scr[NCHUNK:2 * NCHUNK]
        wsems = scr[2 * NCHUNK:]
        wid = lax.axis_index("c") * NS + lax.axis_index("s")
        base = wid * BPW
        pltpu.sync_copy(idx_hbm.at[wid], idx_v)

        gathers = [
            pltpu.async_copy(table_hbm.at[idx_v.at[j]], bufs[j], gsems[j])
            for j in range(NCHUNK)
        ]

        def sigmoid_inplace(buf):
            @plsc.parallel_loop(0, CHUNK, step=1, unroll=2)
            def _rows(r):
                for k in range(D // L):
                    sl = pl.ds(k * L, L)
                    x = buf[r, sl]
                    buf[r, sl] = 1.0 / (1.0 + jnp.exp(-x))

        writes = []
        for j in range(NCHUNK):
            gathers[j].wait()
            sigmoid_inplace(bufs[j])
            writes.append(pltpu.async_copy(
                bufs[j], out_hbm.at[pl.ds(base + j * CHUNK, CHUNK)],
                wsems[j]))
        for w in writes:
            w.wait()

    return gather_sigmoid


_GATHER_SIGMOID = _build()


def kernel(slice_num, optimized_array):
    idx = slice_num.reshape(NW, NCHUNK, CHUNK)
    return _GATHER_SIGMOID(optimized_array, idx)

# --- scband reference (transcript-rebuilt; emitter-appended) ---
"""Pipeline reference for scband-direct-parameter-optim-73315091742971 (READ-ONLY COPY).

The authoritative reference and input builder live on the scoring server;
editing this copy changes nothing except your own understanding.
"""

import jax, jax.numpy as jnp
import numpy as np

NUM_SLICES = 100000
OUTPUT_SIZE = 128
BATCH = 16384
INIT_FILL = 2.0


def setup_inputs(seed: int = 0) -> dict:
    key = jax.random.key(seed)
    k1, = jax.random.split(key, 1)
    slice_num = jax.random.randint(k1, (BATCH, 1), 0, NUM_SLICES, dtype=jnp.int32)
    optimized_array = jnp.full((NUM_SLICES, OUTPUT_SIZE), INIT_FILL, dtype=jnp.float32)
    return {"slice_num": slice_num, "optimized_array": optimized_array}


def reference(slice_num, optimized_array):
    # index = slice_num.long(); even_odd=False so no modulo
    index = slice_num[:, 0].astype(jnp.int32)
    # activation == 'sigmoid'
    gathered = jnp.take(optimized_array, index, axis=0)
    return jax.nn.sigmoid(gathered)

if __name__ == "__main__":
    import jax
    _d = setup_inputs()
    print(jax.jit(kernel)(*tuple(_d.values())))

</pallas_src>

<mosaic_0001>
#map = affine_map<(d0, d1) -> (0, 0)>
#map1 = affine_map<(d0, d1) -> (0, 0, 0)>
module attributes {stable_mosaic.version = 14 : i64} {
  func.func @gather_sigmoid(%arg0: i32, %arg1: i32, %arg2: memref<100000x128xf32, #tpu.memory_space<hbm>>, %arg3: memref<32x4x128xi32, #tpu.memory_space<hbm>>, %arg4: memref<16384x128xf32, #tpu.memory_space<hbm>>, %arg5: memref<4x128xi32, #tpu.memory_space<vmem>>, %arg6: memref<128x128xf32, #tpu.memory_space<vmem>>, %arg7: memref<128x128xf32, #tpu.memory_space<vmem>>, %arg8: memref<128x128xf32, #tpu.memory_space<vmem>>, %arg9: memref<128x128xf32, #tpu.memory_space<vmem>>, %arg10: memref<!tpu.dma_semaphore, #tpu.memory_space<semaphore_mem>>, %arg11: memref<!tpu.dma_semaphore, #tpu.memory_space<semaphore_mem>>, %arg12: memref<!tpu.dma_semaphore, #tpu.memory_space<semaphore_mem>>, %arg13: memref<!tpu.dma_semaphore, #tpu.memory_space<semaphore_mem>>, %arg14: memref<!tpu.dma_semaphore, #tpu.memory_space<semaphore_mem>>, %arg15: memref<!tpu.dma_semaphore, #tpu.memory_space<semaphore_mem>>, %arg16: memref<!tpu.dma_semaphore, #tpu.memory_space<semaphore_mem>>, %arg17: memref<!tpu.dma_semaphore, #tpu.memory_space<semaphore_mem>>) attributes {dimension_semantics = [#tpu.dimension_semantics<core_parallel>, #tpu.dimension_semantics<subcore_parallel>], iteration_bounds = array<i64: 2, 16>, scalar_prefetch = 0 : i64, scratch_operands = 13 : i64, tpu.core_type = #tpu.core_type<sc_vector_subcore>, window_params = [{transform_indices = #map}, {transform_indices = #map1}, {transform_indices = #map}]} {
    %mul3A = arith.constant 16 : i32
    %mul3A_0 = arith.muli %arg0, %mul3A : i32
    %add3A = arith.addi %mul3A_0, %arg1 : i32
    %mul3A_1 = arith.constant 512 : i32
    %mul3A_2 = arith.muli %add3A, %mul3A_1 : i32
    "tpu.region"() ({
      %run_scoped3A = tpu.sem_alloc : memref<!tpu.dma_semaphore, #tpu.memory_space<semaphore_mem>>
      %dma_start3A_108 = arith.constant 0 : i32
      %dma_start3A_109 = arith.constant 0 : i32
      %dma_start3A_110 = tpu.memref_slice %arg3[%add3A, %dma_start3A_108, %dma_start3A_109] : memref<32x4x128xi32, #tpu.memory_space<hbm>> -> memref<1x4x128xi32, #tpu.memory_space<hbm>>
      %dma_start3A_111 = tpu.memref_squeeze %dma_start3A_110 : memref<1x4x128xi32, #tpu.memory_space<hbm>> -> memref<4x128xi32, #tpu.memory_space<hbm>>
      %dma_start3A_112 = arith.constant 0 : i32
      %dma_start3A_113 = arith.constant 0 : i32
      %dma_start3A_114 = tpu.memref_slice %arg3[%add3A, %dma_start3A_112, %dma_start3A_113] : memref<32x4x128xi32, #tpu.memory_space<hbm>> -> memref<1x4x128xi32, #tpu.memory_space<hbm>>
      %dma_start3A_115 = tpu.memref_squeeze %dma_start3A_114 : memref<1x4x128xi32, #tpu.memory_space<hbm>> -> memref<4x128xi32, #tpu.memory_space<hbm>>
      tpu.enqueue_dma source(%dma_start3A_115 : memref<4x128xi32, #tpu.memory_space<hbm>>) target(%arg5 : memref<4x128xi32, #tpu.memory_space<vmem>>) target_semaphore(%run_scoped3A : memref<!tpu.dma_semaphore, #tpu.memory_space<semaphore_mem>>)
      %dma_wait3A_116 = arith.constant 0 : i32
      %dma_wait3A_117 = arith.constant 0 : i32
      %dma_wait3A_118 = tpu.memref_slice %arg3[%add3A, %dma_wait3A_116, %dma_wait3A_117] : memref<32x4x128xi32, #tpu.memory_space<hbm>> -> memref<1x4x128xi32, #tpu.memory_space<hbm>>
      %dma_wait3A_119 = tpu.memref_squeeze %dma_wait3A_118 : memref<1x4x128xi32, #tpu.memory_space<hbm>> -> memref<4x128xi32, #tpu.memory_space<hbm>>
      %dma_wait3A_120 = arith.constant 0 : i32
      %dma_wait3A_121 = arith.constant 0 : i32
      %dma_wait3A_122 = tpu.memref_slice %arg3[%add3A, %dma_wait3A_120, %dma_wait3A_121] : memref<32x4x128xi32, #tpu.memory_space<hbm>> -> memref<1x4x128xi32, #tpu.memory_space<hbm>>
      %dma_wait3A_123 = tpu.memref_squeeze %dma_wait3A_122 : memref<1x4x128xi32, #tpu.memory_space<hbm>> -> memref<4x128xi32, #tpu.memory_space<hbm>>
      tpu.wait_dma2 semaphore(%run_scoped3A : memref<!tpu.dma_semaphore, #tpu.memory_space<semaphore_mem>>) src(%dma_wait3A_123 : memref<4x128xi32, #tpu.memory_space<hbm>>) dst(%arg5 : memref<4x128xi32, #tpu.memory_space<vmem>>)
      tpu.yield
    }) : () -> ()
    %dma_start3A = arith.constant 0 : i32
    %dma_start3A_3 = arith.constant 0 : i32
    %dma_start3A_4 = tpu.memref_slice %arg5[%dma_start3A, %dma_start3A_3] : memref<4x128xi32, #tpu.memory_space<vmem>> -> memref<1x128xi32, #tpu.memory_space<vmem>>
    %dma_start3A_5 = tpu.memref_squeeze %dma_start3A_4 : memref<1x128xi32, #tpu.memory_space<vmem>> -> memref<128xi32, #tpu.memory_space<vmem>>
    %dma_start3A_6 = arith.constant 0 : i32
    %dma_start3A_7 = arith.constant 0 : i32
    %dma_start3A_8 = tpu.memref_slice %arg2[%dma_start3A_6, %dma_start3A_7] : memref<100000x128xf32, #tpu.memory_space<hbm>> -> memref<100000x128xf32, #tpu.memory_space<hbm>>
    tpu.enqueue_indirect_dma source(%dma_start3A_8 : memref<100000x128xf32, #tpu.memory_space<hbm>>) target(%arg6 : memref<128x128xf32, #tpu.memory_space<vmem>>) offsets(%dma_start3A_5 : memref<128xi32, #tpu.memory_space<vmem>>) semaphore(%arg10 : memref<!tpu.dma_semaphore, #tpu.memory_space<semaphore_mem>>)
    %dma_start3A_9 = arith.constant 1 : i32
    %dma_start3A_10 = arith.constant 0 : i32
    %dma_start3A_11 = tpu.memref_slice %arg5[%dma_start3A_9, %dma_start3A_10] : memref<4x128xi32, #tpu.memory_space<vmem>> -> memref<1x128xi32, #tpu.memory_space<vmem>>
    %dma_start3A_12 = tpu.memref_squeeze %dma_start3A_11 : memref<1x128xi32, #tpu.memory_space<vmem>> -> memref<128xi32, #tpu.memory_space<vmem>>
    %dma_start3A_13 = arith.constant 0 : i32
    %dma_start3A_14 = arith.constant 0 : i32
    %dma_start3A_15 = tpu.memref_slice %arg2[%dma_start3A_13, %dma_start3A_14] : memref<100000x128xf32, #tpu.memory_space<hbm>> -> memref<100000x128xf32, #tpu.memory_space<hbm>>
    tpu.enqueue_indirect_dma source(%dma_start3A_15 : memref<100000x128xf32, #tpu.memory_space<hbm>>) target(%arg7 : memref<128x128xf32, #tpu.memory_space<vmem>>) offsets(%dma_start3A_12 : memref<128xi32, #tpu.memory_space<vmem>>) semaphore(%arg11 : memref<!tpu.dma_semaphore, #tpu.memory_space<semaphore_mem>>)
    %dma_start3A_16 = arith.constant 2 : i32
    %dma_start3A_17 = arith.constant 0 : i32
    %dma_start3A_18 = tpu.memref_slice %arg5[%dma_start3A_16, %dma_start3A_17] : memref<4x128xi32, #tpu.memory_space<vmem>> -> memref<1x128xi32, #tpu.memory_space<vmem>>
    %dma_start3A_19 = tpu.memref_squeeze %dma_start3A_18 : memref<1x128xi32, #tpu.memory_space<vmem>> -> memref<128xi32, #tpu.memory_space<vmem>>
    %dma_start3A_20 = arith.constant 0 : i32
    %dma_start3A_21 = arith.constant 0 : i32
    %dma_start3A_22 = tpu.memref_slice %arg2[%dma_start3A_20, %dma_start3A_21] : memref<100000x128xf32, #tpu.memory_space<hbm>> -> memref<100000x128xf32, #tpu.memory_space<hbm>>
    tpu.enqueue_indirect_dma source(%dma_start3A_22 : memref<100000x128xf32, #tpu.memory_space<hbm>>) target(%arg8 : memref<128x128xf32, #tpu.memory_space<vmem>>) offsets(%dma_start3A_19 : memref<128xi32, #tpu.memory_space<vmem>>) semaphore(%arg12 : memref<!tpu.dma_semaphore, #tpu.memory_space<semaphore_mem>>)
    %dma_start3A_23 = arith.constant 3 : i32
    %dma_start3A_24 = arith.constant 0 : i32
    %dma_start3A_25 = tpu.memref_slice %arg5[%dma_start3A_23, %dma_start3A_24] : memref<4x128xi32, #tpu.memory_space<vmem>> -> memref<1x128xi32, #tpu.memory_space<vmem>>
    %dma_start3A_26 = tpu.memref_squeeze %dma_start3A_25 : memref<1x128xi32, #tpu.memory_space<vmem>> -> memref<128xi32, #tpu.memory_space<vmem>>
    %dma_start3A_27 = arith.constant 0 : i32
    %dma_start3A_28 = arith.constant 0 : i32
    %dma_start3A_29 = tpu.memref_slice %arg2[%dma_start3A_27, %dma_start3A_28] : memref<100000x128xf32, #tpu.memory_space<hbm>> -> memref<100000x128xf32, #tpu.memory_space<hbm>>
    tpu.enqueue_indirect_dma source(%dma_start3A_29 : memref<100000x128xf32, #tpu.memory_space<hbm>>) target(%arg9 : memref<128x128xf32, #tpu.memory_space<vmem>>) offsets(%dma_start3A_26 : memref<128xi32, #tpu.memory_space<vmem>>) semaphore(%arg13 : memref<!tpu.dma_semaphore, #tpu.memory_space<semaphore_mem>>)
    %dma_wait3A = arith.constant 0 : i32
    %dma_wait3A_30 = arith.constant 0 : i32
    %dma_wait3A_31 = tpu.memref_slice %arg5[%dma_wait3A, %dma_wait3A_30] : memref<4x128xi32, #tpu.memory_space<vmem>> -> memref<1x128xi32, #tpu.memory_space<vmem>>
    %dma_wait3A_32 = tpu.memref_squeeze %dma_wait3A_31 : memref<1x128xi32, #tpu.memory_space<vmem>> -> memref<128xi32, #tpu.memory_space<vmem>>
    %dma_wait3A_33 = arith.constant 0 : i32
    %dma_wait3A_34 = arith.constant 0 : i32
    %dma_wait3A_35 = tpu.memref_slice %arg2[%dma_wait3A_33, %dma_wait3A_34] : memref<100000x128xf32, #tpu.memory_space<hbm>> -> memref<100000x128xf32, #tpu.memory_space<hbm>>
    tpu.wait_indirect_dma semaphore(%arg10 : memref<!tpu.dma_semaphore, #tpu.memory_space<semaphore_mem>>) src(%dma_wait3A_35 : memref<100000x128xf32, #tpu.memory_space<hbm>>) dst(%arg6 : memref<128x128xf32, #tpu.memory_space<vmem>>)
    %parallel_loop3A = arith.constant 0 : i32
    %parallel_loop3A_36 = arith.constant 128 : i32
    %parallel_loop3A_37 = arith.constant 1 : i32
    scf.for %parallel_loop3A_108 = %parallel_loop3A to %parallel_loop3A_36 step %parallel_loop3A_37  : i32 {
      %parallel_loop3A_109 = arith.index_cast %parallel_loop3A_108 : i32 to index
      %parallel_loop3A_110 = arith.constant 0 : index
      %parallel_loop3A_111 = tpu.vector_load %arg6[%parallel_loop3A_109, %parallel_loop3A_110] {strides = array<i32>} : memref<128x128xf32, #tpu.memory_space<vmem>>, vector<1x16xf32>,
      %parallel_loop3A_112 = vector.shape_cast %parallel_loop3A_111 : vector<1x16xf32> to vector<16xf32>
      %parallel_loop3A_113 = arith.constant 0.000000e+00 : f32
      %parallel_loop3A_114 = vector.broadcast %parallel_loop3A_113 : f32 to vector<16xf32>
      %parallel_loop3A_115 = arith.subf %parallel_loop3A_114, %parallel_loop3A_112 : vector<16xf32>
      %parallel_loop3A_116 = math.exp %parallel_loop3A_115 : vector<16xf32>
      %parallel_loop3A_117 = arith.constant 1.000000e+00 : f32
      %parallel_loop3A_118 = vector.broadcast %parallel_loop3A_117 : f32 to vector<16xf32>
      %parallel_loop3A_119 = arith.addf %parallel_loop3A_118, %parallel_loop3A_116 : vector<16xf32>
      %parallel_loop3A_120 = arith.constant 1.000000e+00 : f32
      %parallel_loop3A_121 = vector.broadcast %parallel_loop3A_120 : f32 to vector<16xf32>
      %parallel_loop3A_122 = arith.divf %parallel_loop3A_121, %parallel_loop3A_119 : vector<16xf32>
      %parallel_loop3A_123 = arith.index_cast %parallel_loop3A_108 : i32 to index
      %parallel_loop3A_124 = arith.constant 0 : index
      %parallel_loop3A_125 = tpu.vector_load %arg6[%parallel_loop3A_123, %parallel_loop3A_124] {strides = array<i32>} : memref<128x128xf32, #tpu.memory_space<vmem>>, vector<1x16xf32>,
      %parallel_loop3A_126 = vector.shape_cast %parallel_loop3A_125 : vector<1x16xf32> to vector<16xf32>
      %parallel_loop3A_127 = vector.shape_cast %parallel_loop3A_122 : vector<16xf32> to vector<1x16xf32>
      tpu.vector_store %arg6[%parallel_loop3A_123, %parallel_loop3A_124], %parallel_loop3A_127 {strides = array<i32>} : memref<128x128xf32, #tpu.memory_space<vmem>>, vector<1x16xf32>,
      %parallel_loop3A_128 = arith.index_cast %parallel_loop3A_108 : i32 to index
      %parallel_loop3A_129 = arith.constant 16 : index
      %parallel_loop3A_130 = tpu.vector_load %arg6[%parallel_loop3A_128, %parallel_loop3A_129] {strides = array<i32>} : memref<128x128xf32, #tpu.memory_space<vmem>>, vector<1x16xf32>,
      %parallel_loop3A_131 = vector.shape_cast %parallel_loop3A_130 : vector<1x16xf32> to vector<16xf32>
      %parallel_loop3A_132 = arith.constant 0.000000e+00 : f32
      %parallel_loop3A_133 = vector.broadcast %parallel_loop3A_132 : f32 to vector<16xf32>
      %parallel_loop3A_134 = arith.subf %parallel_loop3A_133, %parallel_loop3A_131 : vector<16xf32>
      %parallel_loop3A_135 = math.exp %parallel_loop3A_134 : vector<16xf32>
      %parallel_loop3A_136 = arith.constant 1.000000e+00 : f32
      %parallel_loop3A_137 = vector.broadcast %parallel_loop3A_136 : f32 to vector<16xf32>
      %parallel_loop3A_138 = arith.addf %parallel_loop3A_137, %parallel_loop3A_135 : vector<16xf32>
      %parallel_loop3A_139 = arith.constant 1.000000e+00 : f32
      %parallel_loop3A_140 = vector.broadcast %parallel_loop3A_139 : f32 to vector<16xf32>
      %parallel_loop3A_141 = arith.divf %parallel_loop3A_140, %parallel_loop3A_138 : vector<16xf32>
      %parallel_loop3A_142 = arith.index_cast %parallel_loop3A_108 : i32 to index
      %parallel_loop3A_143 = arith.constant 16 : index
      %parallel_loop3A_144 = tpu.vector_load %arg6[%parallel_loop3A_142, %parallel_loop3A_143] {strides = array<i32>} : memref<128x128xf32, #tpu.memory_space<vmem>>, vector<1x16xf32>,
      %parallel_loop3A_145 = vector.shape_cast %parallel_loop3A_144 : vector<1x16xf32> to vector<16xf32>
      %parallel_loop3A_146 = vector.shape_cast %parallel_loop3A_141 : vector<16xf32> to vector<1x16xf32>
      tpu.vector_store %arg6[%parallel_loop3A_142, %parallel_loop3A_143], %parallel_loop3A_146 {strides = array<i32>} : memref<128x128xf32, #tpu.memory_space<vmem>>, vector<1x16xf32>,
      %parallel_loop3A_147 = arith.index_cast %parallel_loop3A_108 : i32 to index
      %parallel_loop3A_148 = arith.constant 32 : index
      %parallel_loop3A_149 = tpu.vector_load %arg6[%parallel_loop3A_147, %parallel_loop3A_148] {strides = array<i32>} : memref<128x128xf32, #tpu.memory_space<vmem>>, vector<1x16xf32>,
      %parallel_loop3A_150 = vector.shape_cast %parallel_loop3A_149 : vector<1x16xf32> to vector<16xf32>
      %parallel_loop3A_151 = arith.constant 0.000000e+00 : f32
      %parallel_loop3A_152 = vector.broadcast %parallel_loop3A_151 : f32 to vector<16xf32>
      %parallel_loop3A_153 = arith.subf %parallel_loop3A_152, %parallel_loop3A_150 : vector<16xf32>
      %parallel_loop3A_154 = math.exp %parallel_loop3A_153 : vector<16xf32>
      %parallel_loop3A_155 = arith.constant 1.000000e+00 : f32
      %parallel_loop3A_156 = vector.broadcast %parallel_loop3A_155 : f32 to vector<16xf32>
      %parallel_loop3A_157 = arith.addf %parallel_loop3A_156, %parallel_loop3A_154 : vector<16xf32>
      %parallel_loop3A_158 = arith.constant 1.000000e+00 : f32
      %parallel_loop3A_159 = vector.broadcast %parallel_loop3A_158 : f32 to vector<16xf32>
      %parallel_loop3A_160 = arith.divf %parallel_loop3A_159, %parallel_loop3A_157 : vector<16xf32>
      %parallel_loop3A_161 = arith.index_cast %parallel_loop3A_108 : i32 to index
      %parallel_loop3A_162 = arith.constant 32 : index
      %parallel_loop3A_163 = tpu.vector_load %arg6[%parallel_loop3A_161, %parallel_loop3A_162] {strides = array<i32>} : memref<128x128xf32, #tpu.memory_space<vmem>>, vector<1x16xf32>,
      %parallel_loop3A_164 = vector.shape_cast %parallel_loop3A_163 : vector<1x16xf32> to vector<16xf32>
      %parallel_loop3A_165 = vector.shape_cast %parallel_loop3A_160 : vector<16xf32> to vector<1x16xf32>
      tpu.vector_store %arg6[%parallel_loop3A_161, %parallel_loop3A_162], %parallel_loop3A_165 {strides = array<i32>} : memref<128x128xf32, #tpu.memory_space<vmem>>, vector<1x16xf32>,
      %parallel_loop3A_166 = arith.index_cast %parallel_loop3A_108 : i32 to index
      %parallel_loop3A_167 = arith.constant 48 : index
      %parallel_loop3A_168 = tpu.vector_load %arg6[%parallel_loop3A_166, %parallel_loop3A_167] {strides = array<i32>} : memref<128x128xf32, #tpu.memory_space<vmem>>, vector<1x16xf32>,
      %parallel_loop3A_169 = vector.shape_cast %parallel_loop3A_168 : vector<1x16xf32> to vector<16xf32>
      %parallel_loop3A_170 = arith.constant 0.000000e+00 : f32
      %parallel_loop3A_171 = vector.broadcast %parallel_loop3A_170 : f32 to vector<16xf32>
      %parallel_loop3A_172 = arith.subf %parallel_loop3A_171, %parallel_loop3A_169 : vector<16xf32>
      %parallel_loop3A_173 = math.exp %parallel_loop3A_172 : vector<16xf32>
      %parallel_loop3A_174 = arith.constant 1.000000e+00 : f32
      %parallel_loop3A_175 = vector.broadcast %parallel_loop3A_174 : f32 to vector<16xf32>
      %parallel_loop3A_176 = arith.addf %parallel_loop3A_175, %parallel_loop3A_173 : vector<16xf32>
      %parallel_loop3A_177 = arith.constant 1.000000e+00 : f32
      %parallel_loop3A_178 = vector.broadcast %parallel_loop3A_177 : f32 to vector<16xf32>
      %parallel_loop3A_179 = arith.divf %parallel_loop3A_178, %parallel_loop3A_176 : vector<16xf32>
      %parallel_loop3A_180 = arith.index_cast %parallel_loop3A_108 : i32 to index
      %parallel_loop3A_181 = arith.constant 48 : index
      %parallel_loop3A_182 = tpu.vector_load %arg6[%parallel_loop3A_180, %parallel_loop3A_181] {strides = array<i32>} : memref<128x128xf32, #tpu.memory_space<vmem>>, vector<1x16xf32>,
      %parallel_loop3A_183 = vector.shape_cast %parallel_loop3A_182 : vector<1x16xf32> to vector<16xf32>
      %parallel_loop3A_184 = vector.shape_cast %parallel_loop3A_179 : vector<16xf32> to vector<1x16xf32>
      tpu.vector_store %arg6[%parallel_loop3A_180, %parallel_loop3A_181], %parallel_loop3A_184 {strides = array<i32>} : memref<128x128xf32, #tpu.memory_space<vmem>>, vector<1x16xf32>,
      %parallel_loop3A_185 = arith.index_cast %parallel_loop3A_108 : i32 to index
      %parallel_loop3A_186 = arith.constant 64 : index
      %parallel_loop3A_187 = tpu.vector_load %arg6[%parallel_loop3A_185, %parallel_loop3A_186] {strides = array<i32>} : memref<128x128xf32, #tpu.memory_space<vmem>>, vector<1x16xf32>,
      %parallel_loop3A_188 = vector.shape_cast %parallel_loop3A_187 : vector<1x16xf32> to vector<16xf32>
      %parallel_loop3A_189 = arith.constant 0.000000e+00 : f32
      %parallel_loop3A_190 = vector.broadcast %parallel_loop3A_189 : f32 to vector<16xf32>
      %parallel_loop3A_191 = arith.subf %parallel_loop3A_190, %parallel_loop3A_188 : vector<16xf32>
      %parallel_loop3A_192 = math.exp %parallel_loop3A_191 : vector<16xf32>
      %parallel_loop3A_193 = arith.constant 1.000000e+00 : f32
      %parallel_loop3A_194 = vector.broadcast %parallel_loop3A_193 : f32 to vector<16xf32>
      %parallel_loop3A_195 = arith.addf %parallel_loop3A_194, %parallel_loop3A_192 : vector<16xf32>
      %parallel_loop3A_196 = arith.constant 1.000000e+00 : f32
      %parallel_loop3A_197 = vector.broadcast %parallel_loop3A_196 : f32 to vector<16xf32>
      %parallel_loop3A_198 = arith.divf %parallel_loop3A_197, %parallel_loop3A_195 : vector<16xf32>
      %parallel_loop3A_199 = arith.index_cast %parallel_loop3A_108 : i32 to index
      %parallel_loop3A_200 = arith.constant 64 : index
      %parallel_loop3A_201 = tpu.vector_load %arg6[%parallel_loop3A_199, %parallel_loop3A_200] {strides = array<i32>} : memref<128x128xf32, #tpu.memory_space<vmem>>, vector<1x16xf32>,
      %parallel_loop3A_202 = vector.shape_cast %parallel_loop3A_201 : vector<1x16xf32> to vector<16xf32>
      %parallel_loop3A_203 = vector.shape_cast %parallel_loop3A_198 : vector<16xf32> to vector<1x16xf32>
      tpu.vector_store %arg6[%parallel_loop3A_199, %parallel_loop3A_200], %parallel_loop3A_203 {strides = array<i32>} : memref<128x128xf32, #tpu.memory_space<vmem>>, vector<1x16xf32>,
      %parallel_loop3A_204 = arith.index_cast %parallel_loop3A_108 : i32 to index
      %parallel_loop3A_205 = arith.constant 80 : index
      %parallel_loop3A_206 = tpu.vector_load %arg6[%parallel_loop3A_204, %parallel_loop3A_205] {strides = array<i32>} : memref<128x128xf32, #tpu.memory_space<vmem>>, vector<1x16xf32>,
      %parallel_loop3A_207 = vector.shape_cast %parallel_loop3A_206 : vector<1x16xf32> to vector<16xf32>
      %parallel_loop3A_208 = arith.constant 0.000000e+00 : f32
      %parallel_loop3A_209 = vector.broadcast %parallel_loop3A_208 : f32 to vector<16xf32>
      %parallel_loop3A_210 = arith.subf %parallel_loop3A_209, %parallel_loop3A_207 : vector<16xf32>
      %parallel_loop3A_211 = math.exp %parallel_loop3A_210 : vector<16xf32>
      %parallel_loop3A_212 = arith.constant 1.000000e+00 : f32
      %parallel_loop3A_213 = vector.broadcast %parallel_loop3A_212 : f32 to vector<16xf32>
      %parallel_loop3A_214 = arith.addf %parallel_loop3A_213, %parallel_loop3A_211 : vector<16xf32>
      %parallel_loop3A_215 = arith.constant 1.000000e+00 : f32
      %parallel_loop3A_216 = vector.broadcast %parallel_loop3A_215 : f32 to vector<16xf32>
      %parallel_loop3A_217 = arith.divf %parallel_loop3A_216, %parallel_loop3A_214 : vector<16xf32>
      %parallel_loop3A_218 = arith.index_cast %parallel_loop3A_108 : i32 to index
      %parallel_loop3A_219 = arith.constant 80 : index
      %parallel_loop3A_220 = tpu.vector_load %arg6[%parallel_loop3A_218, %parallel_loop3A_219] {strides = array<i32>} : memref<128x128xf32, #tpu.memory_space<vmem>>, vector<1x16xf32>,
      %parallel_loop3A_221 = vector.shape_cast %parallel_loop3A_220 : vector<1x16xf32> to vector<16xf32>
      %parallel_loop3A_222 = vector.shape_cast %parallel_loop3A_217 : vector<16xf32> to vector<1x16xf32>
      tpu.vector_store %arg6[%parallel_loop3A_218, %parallel_loop3A_219], %parallel_loop3A_222 {strides = array<i32>} : memref<128x128xf32, #tpu.memory_space<vmem>>, vector<1x16xf32>,
      %parallel_loop3A_223 = arith.index_cast %parallel_loop3A_108 : i32 to index
      %parallel_loop3A_224 = arith.constant 96 : index
      %parallel_loop3A_225 = tpu.vector_load %arg6[%parallel_loop3A_223, %parallel_loop3A_224] {strides = array<i32>} : memref<128x128xf32, #tpu.memory_space<vmem>>, vector<1x16xf32>,
      %parallel_loop3A_226 = vector.shape_cast %parallel_loop3A_225 : vector<1x16xf32> to vector<16xf32>
      %parallel_loop3A_227 = arith.constant 0.000000e+00 : f32
      %parallel_loop3A_228 = vector.broadcast %parallel_loop3A_227 : f32 to vector<16xf32>
      %parallel_loop3A_229 = arith.subf %parallel_loop3A_228, %parallel_loop3A_226 : vector<16xf32>
      %parallel_loop3A_230 = math.exp %parallel_loop3A_229 : vector<16xf32>
      %parallel_loop3A_231 = arith.constant 1.000000e+00 : f32
      %parallel_loop3A_232 = vector.broadcast %parallel_loop3A_231 : f32 to vector<16xf32>
      %parallel_loop3A_233 = arith.addf %parallel_loop3A_232, %parallel_loop3A_230 : vector<16xf32>
      %parallel_loop3A_234 = arith.constant 1.000000e+00 : f32
      %parallel_loop3A_235 = vector.broadcast %parallel_loop3A_234 : f32 to vector<16xf32>
      %parallel_loop3A_236 = arith.divf %parallel_loop3A_235, %parallel_loop3A_233 : vector<16xf32>
      %parallel_loop3A_237 = arith.index_cast %parallel_loop3A_108 : i32 to index
      %parallel_loop3A_238 = arith.constant 96 : index
      %parallel_loop3A_239 = tpu.vector_load %arg6[%parallel_loop3A_237, %parallel_loop3A_238] {strides = array<i32>} : memref<128x128xf32, #tpu.memory_space<vmem>>, vector<1x16xf32>,
      %parallel_loop3A_240 = vector.shape_cast %parallel_loop3A_239 : vector<1x16xf32> to vector<16xf32>
      %parallel_loop3A_241 = vector.shape_cast %parallel_loop3A_236 : vector<16xf32> to vector<1x16xf32>
      tpu.vector_store %arg6[%parallel_loop3A_237, %parallel_loop3A_238], %parallel_loop3A_241 {strides = array<i32>} : memref<128x128xf32, #tpu.memory_space<vmem>>, vector<1x16xf32>,
      %parallel_loop3A_242 = arith.index_cast %parallel_loop3A_108 : i32 to index
      %parallel_loop3A_243 = arith.constant 112 : index
      %parallel_loop3A_244 = tpu.vector_load %arg6[%parallel_loop3A_242, %parallel_loop3A_243] {strides = array<i32>} : memref<128x128xf32, #tpu.memory_space<vmem>>, vector<1x16xf32>,
      %parallel_loop3A_245 = vector.shape_cast %parallel_loop3A_244 : vector<1x16xf32> to vector<16xf32>
      %parallel_loop3A_246 = arith.constant 0.000000e+00 : f32
      %parallel_loop3A_247 = vector.broadcast %parallel_loop3A_246 : f32 to vector<16xf32>
      %parallel_loop3A_248 = arith.subf %parallel_loop3A_247, %parallel_loop3A_245 : vector<16xf32>
      %parallel_loop3A_249 = math.exp %parallel_loop3A_248 : vector<16xf32>
      %parallel_loop3A_250 = arith.constant 1.000000e+00 : f32
      %parallel_loop3A_251 = vector.broadcast %parallel_loop3A_250 : f32 to vector<16xf32>
      %parallel_loop3A_252 = arith.addf %parallel_loop3A_251, %parallel_loop3A_249 : vector<16xf32>
      %parallel_loop3A_253 = arith.constant 1.000000e+00 : f32
      %parallel_loop3A_254 = vector.broadcast %parallel_loop3A_253 : f32 to vector<16xf32>
      %parallel_loop3A_255 = arith.divf %parallel_loop3A_254, %parallel_loop3A_252 : vector<16xf32>
      %parallel_loop3A_256 = arith.index_cast %parallel_loop3A_108 : i32 to index
      %parallel_loop3A_257 = arith.constant 112 : index
      %parallel_loop3A_258 = tpu.vector_load %arg6[%parallel_loop3A_256, %parallel_loop3A_257] {strides = array<i32>} : memref<128x128xf32, #tpu.memory_space<vmem>>, vector<1x16xf32>,
      %parallel_loop3A_259 = vector.shape_cast %parallel_loop3A_258 : vector<1x16xf32> to vector<16xf32>
      %parallel_loop3A_260 = vector.shape_cast %parallel_loop3A_255 : vector<16xf32> to vector<1x16xf32>
      tpu.vector_store %arg6[%parallel_loop3A_256, %parallel_loop3A_257], %parallel_loop3A_260 {strides = array<i32>} : memref<128x128xf32, #tpu.memory_space<vmem>>, vector<1x16xf32>,
    } {sc.loop_unroll_factor = 2 : i64, sc.parallel_access}
    %add3A_38 = arith.constant 0 : i32
    %add3A_39 = arith.addi %mul3A_2, %add3A_38 : i32
    %dma_start3A_40 = arith.constant 0 : i32
    %dma_start3A_41 = tpu.memref_slice %arg4[%add3A_39, %dma_start3A_40] : memref<16384x128xf32, #tpu.memory_space<hbm>> -> memref<128x128xf32, #tpu.memory_space<hbm>>
    %dma_start3A_42 = arith.constant 0 : i32
    %dma_start3A_43 = tpu.memref_slice %arg4[%add3A_39, %dma_start3A_42] : memref<16384x128xf32, #tpu.memory_space<hbm>> -> memref<128x128xf32, #tpu.memory_space<hbm>>
    tpu.enqueue_dma source(%arg6 : memref<128x128xf32, #tpu.memory_space<vmem>>) target(%dma_start3A_43 : memref<128x128xf32, #tpu.memory_space<hbm>>) target_semaphore(%arg14 : memref<!tpu.dma_semaphore, #tpu.memory_space<semaphore_mem>>)
    %dma_wait3A_44 = arith.constant 1 : i32
    %dma_wait3A_45 = arith.constant 0 : i32
    %dma_wait3A_46 = tpu.memref_slice %arg5[%dma_wait3A_44, %dma_wait3A_45] : memref<4x128xi32, #tpu.memory_space<vmem>> -> memref<1x128xi32, #tpu.memory_space<vmem>>
    %dma_wait3A_47 = tpu.memref_squeeze %dma_wait3A_46 : memref<1x128xi32, #tpu.memory_space<vmem>> -> memref<128xi32, #tpu.memory_space<vmem>>
    %dma_wait3A_48 = arith.constant 0 : i32
    %dma_wait3A_49 = arith.constant 0 : i32
    %dma_wait3A_50 = tpu.memref_slice %arg2[%dma_wait3A_48, %dma_wait3A_49] : memref<100000x128xf32, #tpu.memory_space<hbm>> -> memref<100000x128xf32, #tpu.memory_space<hbm>>
    tpu.wait_indirect_dma semaphore(%arg11 : memref<!tpu.dma_semaphore, #tpu.memory_space<semaphore_mem>>) src(%dma_wait3A_50 : memref<100000x128xf32, #tpu.memory_space<hbm>>) dst(%arg7 : memref<128x128xf32, #tpu.memory_space<vmem>>)
    %parallel_loop3A_51 = arith.constant 0 : i32
    %parallel_loop3A_52 = arith.constant 128 : i32
    %parallel_loop3A_53 = arith.constant 1 : i32
    scf.for %parallel_loop3A_108 = %parallel_loop3A_51 to %parallel_loop3A_52 step %parallel_loop3A_53  : i32 {
      %parallel_loop3A_109 = arith.index_cast %parallel_loop3A_108 : i32 to index
      %parallel_loop3A_110 = arith.constant 0 : index
      %parallel_loop3A_111 = tpu.vector_load %arg7[%parallel_loop3A_109, %parallel_loop3A_110] {strides = array<i32>} : memref<128x128xf32, #tpu.memory_space<vmem>>, vector<1x16xf32>,
      %parallel_loop3A_112 = vector.shape_cast %parallel_loop3A_111 : vector<1x16xf32> to vector<16xf32>
      %parallel_loop3A_113 = arith.constant 0.000000e+00 : f32
      %parallel_loop3A_114 = vector.broadcast %parallel_loop3A_113 : f32 to vector<16xf32>
      %parallel_loop3A_115 = arith.subf %parallel_loop3A_114, %parallel_loop3A_112 : vector<16xf32>
      %parallel_loop3A_116 = math.exp %parallel_loop3A_115 : vector<16xf32>
      %parallel_loop3A_117 = arith.constant 1.000000e+00 : f32
      %parallel_loop3A_118 = vector.broadcast %parallel_loop3A_117 : f32 to vector<16xf32>
      %parallel_loop3A_119 = arith.addf %parallel_loop3A_118, %parallel_loop3A_116 : vector<16xf32>
      %parallel_loop3A_120 = arith.constant 1.000000e+00 : f32
      %parallel_loop3A_121 = vector.broadcast %parallel_loop3A_120 : f32 to vector<16xf32>
      %parallel_loop3A_122 = arith.divf %parallel_loop3A_121, %parallel_loop3A_119 : vector<16xf32>
      %parallel_loop3A_123 = arith.index_cast %parallel_loop3A_108 : i32 to index
      %parallel_loop3A_124 = arith.constant 0 : index
      %parallel_loop3A_125 = tpu.vector_load %arg7[%parallel_loop3A_123, %parallel_loop3A_124] {strides = array<i32>} : memref<128x128xf32, #tpu.memory_space<vmem>>, vector<1x16xf32>,
      %parallel_loop3A_126 = vector.shape_cast %parallel_loop3A_125 : vector<1x16xf32> to vector<16xf32>
      %parallel_loop3A_127 = vector.shape_cast %parallel_loop3A_122 : vector<16xf32> to vector<1x16xf32>
      tpu.vector_store %arg7[%parallel_loop3A_123, %parallel_loop3A_124], %parallel_loop3A_127 {strides = array<i32>} : memref<128x128xf32, #tpu.memory_space<vmem>>, vector<1x16xf32>,
      %parallel_loop3A_128 = arith.index_cast %parallel_loop3A_108 : i32 to index
      %parallel_loop3A_129 = arith.constant 16 : index
      %parallel_loop3A_130 = tpu.vector_load %arg7[%parallel_loop3A_128, %parallel_loop3A_129] {strides = array<i32>} : memref<128x128xf32, #tpu.memory_space<vmem>>, vector<1x16xf32>,
      %parallel_loop3A_131 = vector.shape_cast %parallel_loop3A_130 : vector<1x16xf32> to vector<16xf32>
      %parallel_loop3A_132 = arith.constant 0.000000e+00 : f32
      %parallel_loop3A_133 = vector.broadcast %parallel_loop3A_132 : f32 to vector<16xf32>
      %parallel_loop3A_134 = arith.subf %parallel_loop3A_133, %parallel_loop3A_131 : vector<16xf32>
      %parallel_loop3A_135 = math.exp %parallel_loop3A_134 : vector<16xf32>
      %parallel_loop3A_136 = arith.constant 1.000000e+00 : f32
      %parallel_loop3A_137 = vector.broadcast %parallel_loop3A_136 : f32 to vector<16xf32>
      %parallel_loop3A_138 = arith.addf %parallel_loop3A_137, %parallel_loop3A_135 : vector<16xf32>
      %parallel_loop3A_139 = arith.constant 1.000000e+00 : f32
      %parallel_loop3A_140 = vector.broadcast %parallel_loop3A_139 : f32 to vector<16xf32>
      %parallel_loop3A_141 = arith.divf %parallel_loop3A_140, %parallel_loop3A_138 : vector<16xf32>
      %parallel_loop3A_142 = arith.index_cast %parallel_loop3A_108 : i32 to index
      %parallel_loop3A_143 = arith.constant 16 : index
      %parallel_loop3A_144 = tpu.vector_load %arg7[%parallel_loop3A_142, %parallel_loop3A_143] {strides = array<i32>} : memref<128x128xf32, #tpu.memory_space<vmem>>, vector<1x16xf32>,
      %parallel_loop3A_145 = vector.shape_cast %parallel_loop3A_144 : vector<1x16xf32> to vector<16xf32>
      %parallel_loop3A_146 = vector.shape_cast %parallel_loop3A_141 : vector<16xf32> to vector<1x16xf32>
      tpu.vector_store %arg7[%parallel_loop3A_142, %parallel_loop3A_143], %parallel_loop3A_146 {strides = array<i32>} : memref<128x128xf32, #tpu.memory_space<vmem>>, vector<1x16xf32>,
      %parallel_loop3A_147 = arith.index_cast %parallel_loop3A_108 : i32 to index
      %parallel_loop3A_148 = arith.constant 32 : index
      %parallel_loop3A_149 = tpu.vector_load %arg7[%parallel_loop3A_147, %parallel_loop3A_148] {strides = array<i32>} : memref<128x128xf32, #tpu.memory_space<vmem>>, vector<1x16xf32>,
      %parallel_loop3A_150 = vector.shape_cast %parallel_loop3A_149 : vector<1x16xf32> to vector<16xf32>
      %parallel_loop3A_151 = arith.constant 0.000000e+00 : f32
      %parallel_loop3A_152 = vector.broadcast %parallel_loop3A_151 : f32 to vector<16xf32>
      %parallel_loop3A_153 = arith.subf %parallel_loop3A_152, %parallel_loop3A_150 : vector<16xf32>
      %parallel_loop3A_154 = math.exp %parallel_loop3A_153 : vector<16xf32>
      %parallel_loop3A_155 = arith.constant 1.000000e+00 : f32
      %parallel_loop3A_156 = vector.broadcast %parallel_loop3A_155 : f32 to vector<16xf32>
      %parallel_loop3A_157 = arith.addf %parallel_loop3A_156, %parallel_loop3A_154 : vector<16xf32>
      %parallel_loop3A_158 = arith.constant 1.000000e+00 : f32
      %parallel_loop3A_159 = vector.broadcast %parallel_loop3A_158 : f32 to vector<16xf32>
      %parallel_loop3A_160 = arith.divf %parallel_loop3A_159, %parallel_loop3A_157 : vector<16xf32>
      %parallel_loop3A_161 = arith.index_cast %parallel_loop3A_108 : i32 to index
      %parallel_loop3A_162 = arith.constant 32 : index
      %parallel_loop3A_163 = tpu.vector_load %arg7[%parallel_loop3A_161, %parallel_loop3A_162] {strides = array<i32>} : memref<128x128xf32, #tpu.memory_space<vmem>>, vector<1x16xf32>,
      %parallel_loop3A_164 = vector.shape_cast %parallel_loop3A_163 : vector<1x16xf32> to vector<16xf32>
      %parallel_loop3A_165 = vector.shape_cast %parallel_loop3A_160 : vector<16xf32> to vector<1x16xf32>
      tpu.vector_store %arg7[%parallel_loop3A_161, %parallel_loop3A_162], %parallel_loop3A_165 {strides = array<i32>} : memref<128x128xf32, #tpu.memory_space<vmem>>, vector<1x16xf32>,
      %parallel_loop3A_166 = arith.index_cast %parallel_loop3A_108 : i32 to index
      %parallel_loop3A_167 = arith.constant 48 : index
      %parallel_loop3A_168 = tpu.vector_load %arg7[%parallel_loop3A_166, %parallel_loop3A_167] {strides = array<i32>} : memref<128x128xf32, #tpu.memory_space<vmem>>, vector<1x16xf32>,
      %parallel_loop3A_169 = vector.shape_cast %parallel_loop3A_168 : vector<1x16xf32> to vector<16xf32>
      %parallel_loop3A_170 = arith.constant 0.000000e+00 : f32
      %parallel_loop3A_171 = vector.broadcast %parallel_loop3A_170 : f32 to vector<16xf32>
      %parallel_loop3A_172 = arith.subf %parallel_loop3A_171, %parallel_loop3A_169 : vector<16xf32>
      %parallel_loop3A_173 = math.exp %parallel_loop3A_172 : vector<16xf32>
      %parallel_loop3A_174 = arith.constant 1.000000e+00 : f32
      %parallel_loop3A_175 = vector.broadcast %parallel_loop3A_174 : f32 to vector<16xf32>
      %parallel_loop3A_176 = arith.addf %parallel_loop3A_175, %parallel_loop3A_173 : vector<16xf32>
      %parallel_loop3A_177 = arith.constant 1.000000e+00 : f32
      %parallel_loop3A_178 = vector.broadcast %parallel_loop3A_177 : f32 to vector<16xf32>
      %parallel_loop3A_179 = arith.divf %parallel_loop3A_178, %parallel_loop3A_176 : vector<16xf32>
      %parallel_loop3A_180 = arith.index_cast %parallel_loop3A_108 : i32 to index
      %parallel_loop3A_181 = arith.constant 48 : index
      %parallel_loop3A_182 = tpu.vector_load %arg7[%parallel_loop3A_180, %parallel_loop3A_181] {strides = array<i32>} : memref<128x128xf32, #tpu.memory_space<vmem>>, vector<1x16xf32>,
      %parallel_loop3A_183 = vector.shape_cast %parallel_loop3A_182 : vector<1x16xf32> to vector<16xf32>
      %parallel_loop3A_184 = vector.shape_cast %parallel_loop3A_179 : vector<16xf32> to vector<1x16xf32>
      tpu.vector_store %arg7[%parallel_loop3A_180, %parallel_loop3A_181], %parallel_loop3A_184 {strides = array<i32>} : memref<128x128xf32, #tpu.memory_space<vmem>>, vector<1x16xf32>,
      %parallel_loop3A_185 = arith.index_cast %parallel_loop3A_108 : i32 to index
      %parallel_loop3A_186 = arith.constant 64 : index
      %parallel_loop3A_187 = tpu.vector_load %arg7[%parallel_loop3A_185, %parallel_loop3A_186] {strides = array<i32>} : memref<128x128xf32, #tpu.memory_space<vmem>>, vector<1x16xf32>,
      %parallel_loop3A_188 = vector.shape_cast %parallel_loop3A_187 : vector<1x16xf32> to vector<16xf32>
      %parallel_loop3A_189 = arith.constant 0.000000e+00 : f32
      %parallel_loop3A_190 = vector.broadcast %parallel_loop3A_189 : f32 to vector<16xf32>
      %parallel_loop3A_191 = arith.subf %parallel_loop3A_190, %parallel_loop3A_188 : vector<16xf32>
      %parallel_loop3A_192 = math.exp %parallel_loop3A_191 : vector<16xf32>
      %parallel_loop3A_193 = arith.constant 1.000000e+00 : f32
      %parallel_loop3A_194 = vector.broadcast %parallel_loop3A_193 : f32 to vector<16xf32>
      %parallel_loop3A_195 = arith.addf %parallel_loop3A_194, %parallel_loop3A_192 : vector<16xf32>
      %parallel_loop3A_196 = arith.constant 1.000000e+00 : f32
      %parallel_loop3A_197 = vector.broadcast %parallel_loop3A_196 : f32 to vector<16xf32>
      %parallel_loop3A_198 = arith.divf %parallel_loop3A_197, %parallel_loop3A_195 : vector<16xf32>
      %parallel_loop3A_199 = arith.index_cast %parallel_loop3A_108 : i32 to index
      %parallel_loop3A_200 = arith.constant 64 : index
      %parallel_loop3A_201 = tpu.vector_load %arg7[%parallel_loop3A_199, %parallel_loop3A_200] {strides = array<i32>} : memref<128x128xf32, #tpu.memory_space<vmem>>, vector<1x16xf32>,
      %parallel_loop3A_202 = vector.shape_cast %parallel_loop3A_201 : vector<1x16xf32> to vector<16xf32>
      %parallel_loop3A_203 = vector.shape_cast %parallel_loop3A_198 : vector<16xf32> to vector<1x16xf32>
      tpu.vector_store %arg7[%parallel_loop3A_199, %parallel_loop3A_200], %parallel_loop3A_203 {strides = array<i32>} : memref<128x128xf32, #tpu.memory_space<vmem>>, vector<1x16xf32>,
      %parallel_loop3A_204 = arith.index_cast %parallel_loop3A_108 : i32 to index
      %parallel_loop3A_205 = arith.constant 80 : index
      %parallel_loop3A_206 = tpu.vector_load %arg7[%parallel_loop3A_204, %parallel_loop3A_205] {strides = array<i32>} : memref<128x128xf32, #tpu.memory_space<vmem>>, vector<1x16xf32>,
      %parallel_loop3A_207 = vector.shape_cast %parallel_loop3A_206 : vector<1x16xf32> to vector<16xf32>
      %parallel_loop3A_208 = arith.constant 0.000000e+00 : f32
      %parallel_loop3A_209 = vector.broadcast %parallel_loop3A_208 : f32 to vector<16xf32>
      %parallel_loop3A_210 = arith.subf %parallel_loop3A_209, %parallel_loop3A_207 : vector<16xf32>
      %parallel_loop3A_211 = math.exp %parallel_loop3A_210 : vector<16xf32>
      %parallel_loop3A_212 = arith.constant 1.000000e+00 : f32
      %parallel_loop3A_213 = vector.broadcast %parallel_loop3A_212 : f32 to vector<16xf32>
      %parallel_loop3A_214 = arith.addf %parallel_loop3A_213, %parallel_loop3A_211 : vector<16xf32>
      %parallel_loop3A_215 = arith.constant 1.000000e+00 : f32
      %parallel_loop3A_216 = vector.broadcast %parallel_loop3A_215 : f32 to vector<16xf32>
      %parallel_loop3A_217 = arith.divf %parallel_loop3A_216, %parallel_loop3A_214 : vector<16xf32>
      %parallel_loop3A_218 = arith.index_cast %parallel_loop3A_108 : i32 to index
      %parallel_loop3A_219 = arith.constant 80 : index
      %parallel_loop3A_220 = tpu.vector_load %arg7[%parallel_loop3A_218, %parallel_loop3A_219] {strides = array<i32>} : memref<128x128xf32, #tpu.memory_space<vmem>>, vector<1x16xf32>,
      %parallel_loop3A_221 = vector.shape_cast %parallel_loop3A_220 : vector<1x16xf32> to vector<16xf32>
      %parallel_loop3A_222 = vector.shape_cast %parallel_loop3A_217 : vector<16xf32> to vector<1x16xf32>
      tpu.vector_store %arg7[%parallel_loop3A_218, %parallel_loop3A_219], %parallel_loop3A_222 {strides = array<i32>} : memref<128x128xf32, #tpu.memory_space<vmem>>, vector<1x16xf32>,
      %parallel_loop3A_223 = arith.index_cast %parallel_loop3A_108 : i32 to index
      %parallel_loop3A_224 = arith.constant 96 : index
      %parallel_loop3A_225 = tpu.vector_load %arg7[%parallel_loop3A_223, %parallel_loop3A_224] {strides = array<i32>} : memref<128x128xf32, #tpu.memory_space<vmem>>, vector<1x16xf32>,
      %parallel_loop3A_226 = vector.shape_cast %parallel_loop3A_225 : vector<1x16xf32> to vector<16xf32>
      %parallel_loop3A_227 = arith.constant 0.000000e+00 : f32
      %parallel_loop3A_228 = vector.broadcast %parallel_loop3A_227 : f32 to vector<16xf32>
      %parallel_loop3A_229 = arith.subf %parallel_loop3A_228, %parallel_loop3A_226 : vector<16xf32>
      %parallel_loop3A_230 = math.exp %parallel_loop3A_229 : vector<16xf32>
      %parallel_loop3A_231 = arith.constant 1.000000e+00 : f32
      %parallel_loop3A_232 = vector.broadcast %parallel_loop3A_231 : f32 to vector<16xf32>
      %parallel_loop3A_233 = arith.addf %parallel_loop3A_232, %parallel_loop3A_230 : vector<16xf32>
      %parallel_loop3A_234 = arith.constant 1.000000e+00 : f32
      %parallel_loop3A_235 = vector.broadcast %parallel_loop3A_234 : f32 to vector<16xf32>
      %parallel_loop3A_236 = arith.divf %parallel_loop3A_235, %parallel_loop3A_233 : vector<16xf32>
      %parallel_loop3A_237 = arith.index_cast %parallel_loop3A_108 : i32 to index
      %parallel_loop3A_238 = arith.constant 96 : index
      %parallel_loop3A_239 = tpu.vector_load %arg7[%parallel_loop3A_237, %parallel_loop3A_238] {strides = array<i32>} : memref<128x128xf32, #tpu.memory_space<vmem>>, vector<1x16xf32>,
      %parallel_loop3A_240 = vector.shape_cast %parallel_loop3A_239 : vector<1x16xf32> to vector<16xf32>
      %parallel_loop3A_241 = vector.shape_cast %parallel_loop3A_236 : vector<16xf32> to vector<1x16xf32>
      tpu.vector_store %arg7[%parallel_loop3A_237, %parallel_loop3A_238], %parallel_loop3A_241 {strides = array<i32>} : memref<128x128xf32, #tpu.memory_space<vmem>>, vector<1x16xf32>,
      %parallel_loop3A_242 = arith.index_cast %parallel_loop3A_108 : i32 to index
      %parallel_loop3A_243 = arith.constant 112 : index
      %parallel_loop3A_244 = tpu.vector_load %arg7[%parallel_loop3A_242, %parallel_loop3A_243] {strides = array<i32>} : memref<128x128xf32, #tpu.memory_space<vmem>>, vector<1x16xf32>,
      %parallel_loop3A_245 = vector.shape_cast %parallel_loop3A_244 : vector<1x16xf32> to vector<16xf32>
      %parallel_loop3A_246 = arith.constant 0.000000e+00 : f32
      %parallel_loop3A_247 = vector.broadcast %parallel_loop3A_246 : f32 to vector<16xf32>
      %parallel_loop3A_248 = arith.subf %parallel_loop3A_247, %parallel_loop3A_245 : vector<16xf32>
      %parallel_loop3A_249 = math.exp %parallel_loop3A_248 : vector<16xf32>
      %parallel_loop3A_250 = arith.constant 1.000000e+00 : f32
      %parallel_loop3A_251 = vector.broadcast %parallel_loop3A_250 : f32 to vector<16xf32>
      %parallel_loop3A_252 = arith.addf %parallel_loop3A_251, %parallel_loop3A_249 : vector<16xf32>
      %parallel_loop3A_253 = arith.constant 1.000000e+00 : f32
      %parallel_loop3A_254 = vector.broadcast %parallel_loop3A_253 : f32 to vector<16xf32>
      %parallel_loop3A_255 = arith.divf %parallel_loop3A_254, %parallel_loop3A_252 : vector<16xf32>
      %parallel_loop3A_256 = arith.index_cast %parallel_loop3A_108 : i32 to index
      %parallel_loop3A_257 = arith.constant 112 : index
      %parallel_loop3A_258 = tpu.vector_load %arg7[%parallel_loop3A_256, %parallel_loop3A_257] {strides = array<i32>} : memref<128x128xf32, #tpu.memory_space<vmem>>, vector<1x16xf32>,
      %parallel_loop3A_259 = vector.shape_cast %parallel_loop3A_258 : vector<1x16xf32> to vector<16xf32>
      %parallel_loop3A_260 = vector.shape_cast %parallel_loop3A_255 : vector<16xf32> to vector<1x16xf32>
      tpu.vector_store %arg7[%parallel_loop3A_256, %parallel_loop3A_257], %parallel_loop3A_260 {strides = array<i32>} : memref<128x128xf32, #tpu.memory_space<vmem>>, vector<1x16xf32>,
    } {sc.loop_unroll_factor = 2 : i64, sc.parallel_access}
    %add3A_54 = arith.constant 128 : i32
    %add3A_55 = arith.addi %mul3A_2, %add3A_54 : i32
    %dma_start3A_56 = arith.constant 0 : i32
    %dma_start3A_57 = tpu.memref_slice %arg4[%add3A_55, %dma_start3A_56] : memref<16384x128xf32, #tpu.memory_space<hbm>> -> memref<128x128xf32, #tpu.memory_space<hbm>>
    %dma_start3A_58 = arith.constant 0 : i32
    %dma_start3A_59 = tpu.memref_slice %arg4[%add3A_55, %dma_start3A_58] : memref<16384x128xf32, #tpu.memory_space<hbm>> -> memref<128x128xf32, #tpu.memory_space<hbm>>
    tpu.enqueue_dma source(%arg7 : memref<128x128xf32, #tpu.memory_space<vmem>>) target(%dma_start3A_59 : memref<128x128xf32, #tpu.memory_space<hbm>>) target_semaphore(%arg15 : memref<!tpu.dma_semaphore, #tpu.memory_space<semaphore_mem>>)
    %dma_wait3A_60 = arith.constant 2 : i32
    %dma_wait3A_61 = arith.constant 0 : i32
    %dma_wait3A_62 = tpu.memref_slice %arg5[%dma_wait3A_60, %dma_wait3A_61] : memref<4x128xi32, #tpu.memory_space<vmem>> -> memref<1x128xi32, #tpu.memory_space<vmem>>
    %dma_wait3A_63 = tpu.memref_squeeze %dma_wait3A_62 : memref<1x128xi32, #tpu.memory_space<vmem>> -> memref<128xi32, #tpu.memory_space<vmem>>
    %dma_wait3A_64 = arith.constant 0 : i32
    %dma_wait3A_65 = arith.constant 0 : i32
    %dma_wait3A_66 = tpu.memref_slice %arg2[%dma_wait3A_64, %dma_wait3A_65] : memref<100000x128xf32, #tpu.memory_space<hbm>> -> memref<100000x128xf32, #tpu.memory_space<hbm>>
    tpu.wait_indirect_dma semaphore(%arg12 : memref<!tpu.dma_semaphore, #tpu.memory_space<semaphore_mem>>) src(%dma_wait3A_66 : memref<100000x128xf32, #tpu.memory_space<hbm>>) dst(%arg8 : memref<128x128xf32, #tpu.memory_space<vmem>>)
    %parallel_loop3A_67 = arith.constant 0 : i32
    %parallel_loop3A_68 = arith.constant 128 : i32
    %parallel_loop3A_69 = arith.constant 1 : i32
    scf.for %parallel_loop3A_108 = %parallel_loop3A_67 to %parallel_loop3A_68 step %parallel_loop3A_69  : i32 {
      %parallel_loop3A_109 = arith.index_cast %parallel_loop3A_108 : i32 to index
      %parallel_loop3A_110 = arith.constant 0 : index
      %parallel_loop3A_111 = tpu.vector_load %arg8[%parallel_loop3A_109, %parallel_loop3A_110] {strides = array<i32>} : memref<128x128xf32, #tpu.memory_space<vmem>>, vector<1x16xf32>,
      %parallel_loop3A_112 = vector.shape_cast %parallel_loop3A_111 : vector<1x16xf32> to vector<16xf32>
      %parallel_loop3A_113 = arith.constant 0.000000e+00 : f32
      %parallel_loop3A_114 = vector.broadcast %parallel_loop3A_113 : f32 to vector<16xf32>
      %parallel_loop3A_115 = arith.subf %parallel_loop3A_114, %parallel_loop3A_112 : vector<16xf32>
      %parallel_loop3A_116 = math.exp %parallel_loop3A_115 : vector<16xf32>
      %parallel_loop3A_117 = arith.constant 1.000000e+00 : f32
      %parallel_loop3A_118 = vector.broadcast %parallel_loop3A_117 : f32 to vector<16xf32>
      %parallel_loop3A_119 = arith.addf %parallel_loop3A_118, %parallel_loop3A_116 : vector<16xf32>
      %parallel_loop3A_120 = arith.constant 1.000000e+00 : f32
      %parallel_loop3A_121 = vector.broadcast %parallel_loop3A_120 : f32 to vector<16xf32>
      %parallel_loop3A_122 = arith.divf %parallel_loop3A_121, %parallel_loop3A_119 : vector<16xf32>
      %parallel_loop3A_123 = arith.index_cast %parallel_loop3A_108 : i32 to index
      %parallel_loop3A_124 = arith.constant 0 : index
      %parallel_loop3A_125 = tpu.vector_load %arg8[%parallel_loop3A_123, %parallel_loop3A_124] {strides = array<i32>} : memref<128x128xf32, #tpu.memory_space<vmem>>, vector<1x16xf32>,
      %parallel_loop3A_126 = vector.shape_cast %parallel_loop3A_125 : vector<1x16xf32> to vector<16xf32>
      %parallel_loop3A_127 = vector.shape_cast %parallel_loop3A_122 : vector<16xf32> to vector<1x16xf32>
      tpu.vector_store %arg8[%parallel_loop3A_123, %parallel_loop3A_124], %parallel_loop3A_127 {strides = array<i32>} : memref<128x128xf32, #tpu.memory_space<vmem>>, vector<1x16xf32>,
      %parallel_loop3A_128 = arith.index_cast %parallel_loop3A_108 : i32 to index
      %parallel_loop3A_129 = arith.constant 16 : index
      %parallel_loop3A_130 = tpu.vector_load %arg8[%parallel_loop3A_128, %parallel_loop3A_129] {strides = array<i32>} : memref<128x128xf32, #tpu.memory_space<vmem>>, vector<1x16xf32>,
      %parallel_loop3A_131 = vector.shape_cast %parallel_loop3A_130 : vector<1x16xf32> to vector<16xf32>
      %parallel_loop3A_132 = arith.constant 0.000000e+00 : f32
      %parallel_loop3A_133 = vector.broadcast %parallel_loop3A_132 : f32 to vector<16xf32>
      %parallel_loop3A_134 = arith.subf %parallel_loop3A_133, %parallel_loop3A_131 : vector<16xf32>
      %parallel_loop3A_135 = math.exp %parallel_loop3A_134 : vector<16xf32>
      %parallel_loop3A_136 = arith.constant 1.000000e+00 : f32
      %parallel_loop3A_137 = vector.broadcast %parallel_loop3A_136 : f32 to vector<16xf32>
      %parallel_loop3A_138 = arith.addf %parallel_loop3A_137, %parallel_loop3A_135 : vector<16xf32>
      %parallel_loop3A_139 = arith.constant 1.000000e+00 : f32
      %parallel_loop3A_140 = vector.broadcast %parallel_loop3A_139 : f32 to vector<16xf32>
      %parallel_loop3A_141 = arith.divf %parallel_loop3A_140, %parallel_loop3A_138 : vector<16xf32>
      %parallel_loop3A_142 = arith.index_cast %parallel_loop3A_108 : i32 to index
      %parallel_loop3A_143 = arith.constant 16 : index
      %parallel_loop3A_144 = tpu.vector_load %arg8[%parallel_loop3A_142, %parallel_loop3A_143] {strides = array<i32>} : memref<128x128xf32, #tpu.memory_space<vmem>>, vector<1x16xf32>,
      %parallel_loop3A_145 = vector.shape_cast %parallel_loop3A_144 : vector<1x16xf32> to vector<16xf32>
      %parallel_loop3A_146 = vector.shape_cast %parallel_loop3A_141 : vector<16xf32> to vector<1x16xf32>
      tpu.vector_store %arg8[%parallel_loop3A_142, %parallel_loop3A_143], %parallel_loop3A_146 {strides = array<i32>} : memref<128x128xf32, #tpu.memory_space<vmem>>, vector<1x16xf32>,
      %parallel_loop3A_147 = arith.index_cast %parallel_loop3A_108 : i32 to index
      %parallel_loop3A_148 = arith.constant 32 : index
      %parallel_loop3A_149 = tpu.vector_load %arg8[%parallel_loop3A_147, %parallel_loop3A_148] {strides = array<i32>} : memref<128x128xf32, #tpu.memory_space<vmem>>, vector<1x16xf32>,
      %parallel_loop3A_150 = vector.shape_cast %parallel_loop3A_149 : vector<1x16xf32> to vector<16xf32>
      %parallel_loop3A_151 = arith.constant 0.000000e+00 : f32
      %parallel_loop3A_152 = vector.broadcast %parallel_loop3A_151 : f32 to vector<16xf32>
      %parallel_loop3A_153 = arith.subf %parallel_loop3A_152, %parallel_loop3A_150 : vector<16xf32>
      %parallel_loop3A_154 = math.exp %parallel_loop3A_153 : vector<16xf32>
      %parallel_loop3A_155 = arith.constant 1.000000e+00 : f32
      %parallel_loop3A_156 = vector.broadcast %parallel_loop3A_155 : f32 to vector<16xf32>
      %parallel_loop3A_157 = arith.addf %parallel_loop3A_156, %parallel_loop3A_154 : vector<16xf32>
      %parallel_loop3A_158 = arith.constant 1.000000e+00 : f32
      %parallel_loop3A_159 = vector.broadcast %parallel_loop3A_158 : f32 to vector<16xf32>
      %parallel_loop3A_160 = arith.divf %parallel_loop3A_159, %parallel_loop3A_157 : vector<16xf32>
      %parallel_loop3A_161 = arith.index_cast %parallel_loop3A_108 : i32 to index
      %parallel_loop3A_162 = arith.constant 32 : index
      %parallel_loop3A_163 = tpu.vector_load %arg8[%parallel_loop3A_161, %parallel_loop3A_162] {strides = array<i32>} : memref<128x128xf32, #tpu.memory_space<vmem>>, vector<1x16xf32>,
      %parallel_loop3A_164 = vector.shape_cast %parallel_loop3A_163 : vector<1x16xf32> to vector<16xf32>
      %parallel_loop3A_165 = vector.shape_cast %parallel_loop3A_160 : vector<16xf32> to vector<1x16xf32>
      tpu.vector_store %arg8[%parallel_loop3A_161, %parallel_loop3A_162], %parallel_loop3A_165 {strides = array<i32>} : memref<128x128xf32, #tpu.memory_space<vmem>>, vector<1x16xf32>,
      %parallel_loop3A_166 = arith.index_cast %parallel_loop3A_108 : i32 to index
      %parallel_loop3A_167 = arith.constant 48 : index
      %parallel_loop3A_168 = tpu.vector_load %arg8[%parallel_loop3A_166, %parallel_loop3A_167] {strides = array<i32>} : memref<128x128xf32, #tpu.memory_space<vmem>>, vector<1x16xf32>,
      %parallel_loop3A_169 = vector.shape_cast %parallel_loop3A_168 : vector<1x16xf32> to vector<16xf32>
      %parallel_loop3A_170 = arith.constant 0.000000e+00 : f32
      %parallel_loop3A_171 = vector.broadcast %parallel_loop3A_170 : f32 to vector<16xf32>
      %parallel_loop3A_172 = arith.subf %parallel_loop3A_171, %parallel_loop3A_169 : vector<16xf32>
      %parallel_loop3A_173 = math.exp %parallel_loop3A_172 : vector<16xf32>
      %parallel_loop3A_174 = arith.constant 1.000000e+00 : f32
      %parallel_loop3A_175 = vector.broadcast %parallel_loop3A_174 : f32 to vector<16xf32>
      %parallel_loop3A_176 = arith.addf %parallel_loop3A_175, %parallel_loop3A_173 : vector<16xf32>
      %parallel_loop3A_177 = arith.constant 1.000000e+00 : f32
      %parallel_loop3A_178 = vector.broadcast %parallel_loop3A_177 : f32 to vector<16xf32>
      %parallel_loop3A_179 = arith.divf %parallel_loop3A_178, %parallel_loop3A_176 : vector<16xf32>
      %parallel_loop3A_180 = arith.index_cast %parallel_loop3A_108 : i32 to index
      %parallel_loop3A_181 = arith.constant 48 : index
      %parallel_loop3A_182 = tpu.vector_load %arg8[%parallel_loop3A_180, %parallel_loop3A_181] {strides = array<i32>} : memref<128x128xf32, #tpu.memory_space<vmem>>, vector<1x16xf32>,
      %parallel_loop3A_183 = vector.shape_cast %parallel_loop3A_182 : vector<1x16xf32> to vector<16xf32>
      %parallel_loop3A_184 = vector.shape_cast %parallel_loop3A_179 : vector<16xf32> to vector<1x16xf32>
      tpu.vector_store %arg8[%parallel_loop3A_180, %parallel_loop3A_181], %parallel_loop3A_184 {strides = array<i32>} : memref<128x128xf32, #tpu.memory_space<vmem>>, vector<1x16xf32>,
      %parallel_loop3A_185 = arith.index_cast %parallel_loop3A_108 : i32 to index
      %parallel_loop3A_186 = arith.constant 64 : index
      %parallel_loop3A_187 = tpu.vector_load %arg8[%parallel_loop3A_185, %parallel_loop3A_186] {strides = array<i32>} : memref<128x128xf32, #tpu.memory_space<vmem>>, vector<1x16xf32>,
      %parallel_loop3A_188 = vector.shape_cast %parallel_loop3A_187 : vector<1x16xf32> to vector<16xf32>
      %parallel_loop3A_189 = arith.constant 0.000000e+00 : f32
      %parallel_loop3A_190 = vector.broadcast %parallel_loop3A_189 : f32 to vector<16xf32>
      %parallel_loop3A_191 = arith.subf %parallel_loop3A_190, %parallel_loop3A_188 : vector<16xf32>
      %parallel_loop3A_192 = math.exp %parallel_loop3A_191 : vector<16xf32>
      %parallel_loop3A_193 = arith.constant 1.000000e+00 : f32
      %parallel_loop3A_194 = vector.broadcast %parallel_loop3A_193 : f32 to vector<16xf32>
      %parallel_loop3A_195 = arith.addf %parallel_loop3A_194, %parallel_loop3A_192 : vector<16xf32>
      %parallel_loop3A_196 = arith.constant 1.000000e+00 : f32
      %parallel_loop3A_197 = vector.broadcast %parallel_loop3A_196 : f32 to vector<16xf32>
      %parallel_loop3A_198 = arith.divf %parallel_loop3A_197, %parallel_loop3A_195 : vector<16xf32>
      %parallel_loop3A_199 = arith.index_cast %parallel_loop3A_108 : i32 to index
      %parallel_loop3A_200 = arith.constant 64 : index
      %parallel_loop3A_201 = tpu.vector_load %arg8[%parallel_loop3A_199, %parallel_loop3A_200] {strides = array<i32>} : memref<128x128xf32, #tpu.memory_space<vmem>>, vector<1x16xf32>,
      %parallel_loop3A_202 = vector.shape_cast %parallel_loop3A_201 : vector<1x16xf32> to vector<16xf32>
      %parallel_loop3A_203 = vector.shape_cast %parallel_loop3A_198 : vector<16xf32> to vector<1x16xf32>
      tpu.vector_store %arg8[%parallel_loop3A_199, %parallel_loop3A_200], %parallel_loop3A_203 {strides = array<i32>} : memref<128x128xf32, #tpu.memory_space<vmem>>, vector<1x16xf32>,
      %parallel_loop3A_204 = arith.index_cast %parallel_loop3A_108 : i32 to index
      %parallel_loop3A_205 = arith.constant 80 : index
      %parallel_loop3A_206 = tpu.vector_load %arg8[%parallel_loop3A_204, %parallel_loop3A_205] {strides = array<i32>} : memref<128x128xf32, #tpu.memory_space<vmem>>, vector<1x16xf32>,
      %parallel_loop3A_207 = vector.shape_cast %parallel_loop3A_206 : vector<1x16xf32> to vector<16xf32>
      %parallel_loop3A_208 = arith.constant 0.000000e+00 : f32
      %parallel_loop3A_209 = vector.broadcast %parallel_loop3A_208 : f32 to vector<16xf32>
      %parallel_loop3A_210 = arith.subf %parallel_loop3A_209, %parallel_loop3A_207 : vector<16xf32>
      %parallel_loop3A_211 = math.exp %parallel_loop3A_210 : vector<16xf32>
      %parallel_loop3A_212 = arith.constant 1.000000e+00 : f32
      %parallel_loop3A_213 = vector.broadcast %parallel_loop3A_212 : f32 to vector<16xf32>
      %parallel_loop3A_214 = arith.addf %parallel_loop3A_213, %parallel_loop3A_211 : vector<16xf32>
      %parallel_loop3A_215 = arith.constant 1.000000e+00 : f32
      %parallel_loop3A_216 = vector.broadcast %parallel_loop3A_215 : f32 to vector<16xf32>
      %parallel_loop3A_217 = arith.divf %parallel_loop3A_216, %parallel_loop3A_214 : vector<16xf32>
      %parallel_loop3A_218 = arith.index_cast %parallel_loop3A_108 : i32 to index
      %parallel_loop3A_219 = arith.constant 80 : index
      %parallel_loop3A_220 = tpu.vector_load %arg8[%parallel_loop3A_218, %parallel_loop3A_219] {strides = array<i32>} : memref<128x128xf32, #tpu.memory_space<vmem>>, vector<1x16xf32>,
      %parallel_loop3A_221 = vector.shape_cast %parallel_loop3A_220 : vector<1x16xf32> to vector<16xf32>
      %parallel_loop3A_222 = vector.shape_cast %parallel_loop3A_217 : vector<16xf32> to vector<1x16xf32>
      tpu.vector_store %arg8[%parallel_loop3A_218, %parallel_loop3A_219], %parallel_loop3A_222 {strides = array<i32>} : memref<128x128xf32, #tpu.memory_space<vmem>>, vector<1x16xf32>,
      %parallel_loop3A_223 = arith.index_cast %parallel_loop3A_108 : i32 to index
      %parallel_loop3A_224 = arith.constant 96 : index
      %parallel_loop3A_225 = tpu.vector_load %arg8[%parallel_loop3A_223, %parallel_loop3A_224] {strides = array<i32>} : memref<128x128xf32, #tpu.memory_space<vmem>>, vector<1x16xf32>,
      %parallel_loop3A_226 = vector.shape_cast %parallel_loop3A_225 : vector<1x16xf32> to vector<16xf32>
      %parallel_loop3A_227 = arith.constant 0.000000e+00 : f32
      %parallel_loop3A_228 = vector.broadcast %parallel_loop3A_227 : f32 to vector<16xf32>
      %parallel_loop3A_229 = arith.subf %parallel_loop3A_228, %parallel_loop3A_226 : vector<16xf32>
      %parallel_loop3A_230 = math.exp %parallel_loop3A_229 : vector<16xf32>
      %parallel_loop3A_231 = arith.constant 1.000000e+00 : f32
      %parallel_loop3A_232 = vector.broadcast %parallel_loop3A_231 : f32 to vector<16xf32>
      %parallel_loop3A_233 = arith.addf %parallel_loop3A_232, %parallel_loop3A_230 : vector<16xf32>
      %parallel_loop3A_234 = arith.constant 1.000000e+00 : f32
      %parallel_loop3A_235 = vector.broadcast %parallel_loop3A_234 : f32 to vector<16xf32>
      %parallel_loop3A_236 = arith.divf %parallel_loop3A_235, %parallel_loop3A_233 : vector<16xf32>
      %parallel_loop3A_237 = arith.index_cast %parallel_loop3A_108 : i32 to index
      %parallel_loop3A_238 = arith.constant 96 : index
      %parallel_loop3A_239 = tpu.vector_load %arg8[%parallel_loop3A_237, %parallel_loop3A_238] {strides = array<i32>} : memref<128x128xf32, #tpu.memory_space<vmem>>, vector<1x16xf32>,
      %parallel_loop3A_240 = vector.shape_cast %parallel_loop3A_239 : vector<1x16xf32> to vector<16xf32>
      %parallel_loop3A_241 = vector.shape_cast %parallel_loop3A_236 : vector<16xf32> to vector<1x16xf32>
      tpu.vector_store %arg8[%parallel_loop3A_237, %parallel_loop3A_238], %parallel_loop3A_241 {strides = array<i32>} : memref<128x128xf32, #tpu.memory_space<vmem>>, vector<1x16xf32>,
      %parallel_loop3A_242 = arith.index_cast %parallel_loop3A_108 : i32 to index
      %parallel_loop3A_243 = arith.constant 112 : index
      %parallel_loop3A_244 = tpu.vector_load %arg8[%parallel_loop3A_242, %parallel_loop3A_243] {strides = array<i32>} : memref<128x128xf32, #tpu.memory_space<vmem>>, vector<1x16xf32>,
      %parallel_loop3A_245 = vector.shape_cast %parallel_loop3A_244 : vector<1x16xf32> to vector<16xf32>
      %parallel_loop3A_246 = arith.constant 0.000000e+00 : f32
      %parallel_loop3A_247 = vector.broadcast %parallel_loop3A_246 : f32 to vector<16xf32>
      %parallel_loop3A_248 = arith.subf %parallel_loop3A_247, %parallel_loop3A_245 : vector<16xf32>
      %parallel_loop3A_249 = math.exp %parallel_loop3A_248 : vector<16xf32>
      %parallel_loop3A_250 = arith.constant 1.000000e+00 : f32
      %parallel_loop3A_251 = vector.broadcast %parallel_loop3A_250 : f32 to vector<16xf32>
      %parallel_loop3A_252 = arith.addf %parallel_loop3A_251, %parallel_loop3A_249 : vector<16xf32>
      %parallel_loop3A_253 = arith.constant 1.000000e+00 : f32
      %parallel_loop3A_254 = vector.broadcast %parallel_loop3A_253 : f32 to vector<16xf32>
      %parallel_loop3A_255 = arith.divf %parallel_loop3A_254, %parallel_loop3A_252 : vector<16xf32>
      %parallel_loop3A_256 = arith.index_cast %parallel_loop3A_108 : i32 to index
      %parallel_loop3A_257 = arith.constant 112 : index
      %parallel_loop3A_258 = tpu.vector_load %arg8[%parallel_loop3A_256, %parallel_loop3A_257] {strides = array<i32>} : memref<128x128xf32, #tpu.memory_space<vmem>>, vector<1x16xf32>,
      %parallel_loop3A_259 = vector.shape_cast %parallel_loop3A_258 : vector<1x16xf32> to vector<16xf32>
      %parallel_loop3A_260 = vector.shape_cast %parallel_loop3A_255 : vector<16xf32> to vector<1x16xf32>
      tpu.vector_store %arg8[%parallel_loop3A_256, %parallel_loop3A_257], %parallel_loop3A_260 {strides = array<i32>} : memref<128x128xf32, #tpu.memory_space<vmem>>, vector<1x16xf32>,
    } {sc.loop_unroll_factor = 2 : i64, sc.parallel_access}
    %add3A_70 = arith.constant 256 : i32
    %add3A_71 = arith.addi %mul3A_2, %add3A_70 : i32
    %dma_start3A_72 = arith.constant 0 : i32
    %dma_start3A_73 = tpu.memref_slice %arg4[%add3A_71, %dma_start3A_72] : memref<16384x128xf32, #tpu.memory_space<hbm>> -> memref<128x128xf32, #tpu.memory_space<hbm>>
    %dma_start3A_74 = arith.constant 0 : i32
    %dma_start3A_75 = tpu.memref_slice %arg4[%add3A_71, %dma_start3A_74] : memref<16384x128xf32, #tpu.memory_space<hbm>> -> memref<128x128xf32, #tpu.memory_space<hbm>>
    tpu.enqueue_dma source(%arg8 : memref<128x128xf32, #tpu.memory_space<vmem>>) target(%dma_start3A_75 : memref<128x128xf32, #tpu.memory_space<hbm>>) target_semaphore(%arg16 : memref<!tpu.dma_semaphore, #tpu.memory_space<semaphore_mem>>)
    %dma_wait3A_76 = arith.constant 3 : i32
    %dma_wait3A_77 = arith.constant 0 : i32
    %dma_wait3A_78 = tpu.memref_slice %arg5[%dma_wait3A_76, %dma_wait3A_77] : memref<4x128xi32, #tpu.memory_space<vmem>> -> memref<1x128xi32, #tpu.memory_space<vmem>>
    %dma_wait3A_79 = tpu.memref_squeeze %dma_wait3A_78 : memref<1x128xi32, #tpu.memory_space<vmem>> -> memref<128xi32, #tpu.memory_space<vmem>>
    %dma_wait3A_80 = arith.constant 0 : i32
    %dma_wait3A_81 = arith.constant 0 : i32
    %dma_wait3A_82 = tpu.memref_slice %arg2[%dma_wait3A_80, %dma_wait3A_81] : memref<100000x128xf32, #tpu.memory_space<hbm>> -> memref<100000x128xf32, #tpu.memory_space<hbm>>
    tpu.wait_indirect_dma semaphore(%arg13 : memref<!tpu.dma_semaphore, #tpu.memory_space<semaphore_mem>>) src(%dma_wait3A_82 : memref<100000x128xf32, #tpu.memory_space<hbm>>) dst(%arg9 : memref<128x128xf32, #tpu.memory_space<vmem>>)
    %parallel_loop3A_83 = arith.constant 0 : i32
    %parallel_loop3A_84 = arith.constant 128 : i32
    %parallel_loop3A_85 = arith.constant 1 : i32
    scf.for %parallel_loop3A_108 = %parallel_loop3A_83 to %parallel_loop3A_84 step %parallel_loop3A_85  : i32 {
      %parallel_loop3A_109 = arith.index_cast %parallel_loop3A_108 : i32 to index
      %parallel_loop3A_110 = arith.constant 0 : index
      %parallel_loop3A_111 = tpu.vector_load %arg9[%parallel_loop3A_109, %parallel_loop3A_110] {strides = array<i32>} : memref<128x128xf32, #tpu.memory_space<vmem>>, vector<1x16xf32>,
      %parallel_loop3A_112 = vector.shape_cast %parallel_loop3A_111 : vector<1x16xf32> to vector<16xf32>
      %parallel_loop3A_113 = arith.constant 0.000000e+00 : f32
      %parallel_loop3A_114 = vector.broadcast %parallel_loop3A_113 : f32 to vector<16xf32>
      %parallel_loop3A_115 = arith.subf %parallel_loop3A_114, %parallel_loop3A_112 : vector<16xf32>
      %parallel_loop3A_116 = math.exp %parallel_loop3A_115 : vector<16xf32>
      %parallel_loop3A_117 = arith.constant 1.000000e+00 : f32
      %parallel_loop3A_118 = vector.broadcast %parallel_loop3A_117 : f32 to vector<16xf32>
      %parallel_loop3A_119 = arith.addf %parallel_loop3A_118, %parallel_loop3A_116 : vector<16xf32>
      %parallel_loop3A_120 = arith.constant 1.000000e+00 : f32
      %parallel_loop3A_121 = vector.broadcast %parallel_loop3A_120 : f32 to vector<16xf32>
      %parallel_loop3A_122 = arith.divf %parallel_loop3A_121, %parallel_loop3A_119 : vector<16xf32>
      %parallel_loop3A_123 = arith.index_cast %parallel_loop3A_108 : i32 to index
      %parallel_loop3A_124 = arith.constant 0 : index
      %parallel_loop3A_125 = tpu.vector_load %arg9[%parallel_loop3A_123, %parallel_loop3A_124] {strides = array<i32>} : memref<128x128xf32, #tpu.memory_space<vmem>>, vector<1x16xf32>,
      %parallel_loop3A_126 = vector.shape_cast %parallel_loop3A_125 : vector<1x16xf32> to vector<16xf32>
      %parallel_loop3A_127 = vector.shape_cast %parallel_loop3A_122 : vector<16xf32> to vector<1x16xf32>
      tpu.vector_store %arg9[%parallel_loop3A_123, %parallel_loop3A_124], %parallel_loop3A_127 {strides = array<i32>} : memref<128x128xf32, #tpu.memory_space<vmem>>, vector<1x16xf32>,
      %parallel_loop3A_128 = arith.index_cast %parallel_loop3A_108 : i32 to index
      %parallel_loop3A_129 = arith.constant 16 : index
      %parallel_loop3A_130 = tpu.vector_load %arg9[%parallel_loop3A_128, %parallel_loop3A_129] {strides = array<i32>} : memref<128x128xf32, #tpu.memory_space<vmem>>, vector<1x16xf32>,
      %parallel_loop3A_131 = vector.shape_cast %parallel_loop3A_130 : vector<1x16xf32> to vector<16xf32>
      %parallel_loop3A_132 = arith.constant 0.000000e+00 : f32
      %parallel_loop3A_133 = vector.broadcast %parallel_loop3A_132 : f32 to vector<16xf32>
      %parallel_loop3A_134 = arith.subf %parallel_loop3A_133, %parallel_loop3A_131 : vector<16xf32>
      %parallel_loop3A_135 = math.exp %parallel_loop3A_134 : vector<16xf32>
      %parallel_loop3A_136 = arith.constant 1.000000e+00 : f32
      %parallel_loop3A_137 = vector.broadcast %parallel_loop3A_136 : f32 to vector<16xf32>
      %parallel_loop3A_138 = arith.addf %parallel_loop3A_137, %parallel_loop3A_135 : vector<16xf32>
      %parallel_loop3A_139 = arith.constant 1.000000e+00 : f32
      %parallel_loop3A_140 = vector.broadcast %parallel_loop3A_139 : f32 to vector<16xf32>
      %parallel_loop3A_141 = arith.divf %parallel_loop3A_140, %parallel_loop3A_138 : vector<16xf32>
      %parallel_loop3A_142 = arith.index_cast %parallel_loop3A_108 : i32 to index
      %parallel_loop3A_143 = arith.constant 16 : index
      %parallel_loop3A_144 = tpu.vector_load %arg9[%parallel_loop3A_142, %parallel_loop3A_143] {strides = array<i32>} : memref<128x128xf32, #tpu.memory_space<vmem>>, vector<1x16xf32>,
      %parallel_loop3A_145 = vector.shape_cast %parallel_loop3A_144 : vector<1x16xf32> to vector<16xf32>
      %parallel_loop3A_146 = vector.shape_cast %parallel_loop3A_141 : vector<16xf32> to vector<1x16xf32>
      tpu.vector_store %arg9[%parallel_loop3A_142, %parallel_loop3A_143], %parallel_loop3A_146 {strides = array<i32>} : memref<128x128xf32, #tpu.memory_space<vmem>>, vector<1x16xf32>,
      %parallel_loop3A_147 = arith.index_cast %parallel_loop3A_108 : i32 to index
      %parallel_loop3A_148 = arith.constant 32 : index
      %parallel_loop3A_149 = tpu.vector_load %arg9[%parallel_loop3A_147, %parallel_loop3A_148] {strides = array<i32>} : memref<128x128xf32, #tpu.memory_space<vmem>>, vector<1x16xf32>,
      %parallel_loop3A_150 = vector.shape_cast %parallel_loop3A_149 : vector<1x16xf32> to vector<16xf32>
      %parallel_loop3A_151 = arith.constant 0.000000e+00 : f32
      %parallel_loop3A_152 = vector.broadcast %parallel_loop3A_151 : f32 to vector<16xf32>
      %parallel_loop3A_153 = arith.subf %parallel_loop3A_152, %parallel_loop3A_150 : vector<16xf32>
      %parallel_loop3A_154 = math.exp %parallel_loop3A_153 : vector<16xf32>
      %parallel_loop3A_155 = arith.constant 1.000000e+00 : f32
      %parallel_loop3A_156 = vector.broadcast %parallel_loop3A_155 : f32 to vector<16xf32>
      %parallel_loop3A_157 = arith.addf %parallel_loop3A_156, %parallel_loop3A_154 : vector<16xf32>
      %parallel_loop3A_158 = arith.constant 1.000000e+00 : f32
      %parallel_loop3A_159 = vector.broadcast %parallel_loop3A_158 : f32 to vector<16xf32>
      %parallel_loop3A_160 = arith.divf %parallel_loop3A_159, %parallel_loop3A_157 : vector<16xf32>
      %parallel_loop3A_161 = arith.index_cast %parallel_loop3A_108 : i32 to index
      %parallel_loop3A_162 = arith.constant 32 : index
      %parallel_loop3A_163 = tpu.vector_load %arg9[%parallel_loop3A_161, %parallel_loop3A_162] {strides = array<i32>} : memref<128x128xf32, #tpu.memory_space<vmem>>, vector<1x16xf32>,
      %parallel_loop3A_164 = vector.shape_cast %parallel_loop3A_163 : vector<1x16xf32> to vector<16xf32>
      %parallel_loop3A_165 = vector.shape_cast %parallel_loop3A_160 : vector<16xf32> to vector<1x16xf32>
      tpu.vector_store %arg9[%parallel_loop3A_161, %parallel_loop3A_162], %parallel_loop3A_165 {strides = array<i32>} : memref<128x128xf32, #tpu.memory_space<vmem>>, vector<1x16xf32>,
      %parallel_loop3A_166 = arith.index_cast %parallel_loop3A_108 : i32 to index
      %parallel_loop3A_167 = arith.constant 48 : index
      %parallel_loop3A_168 = tpu.vector_load %arg9[%parallel_loop3A_166, %parallel_loop3A_167] {strides = array<i32>} : memref<128x128xf32, #tpu.memory_space<vmem>>, vector<1x16xf32>,
      %parallel_loop3A_169 = vector.shape_cast %parallel_loop3A_168 : vector<1x16xf32> to vector<16xf32>
      %parallel_loop3A_170 = arith.constant 0.000000e+00 : f32
      %parallel_loop3A_171 = vector.broadcast %parallel_loop3A_170 : f32 to vector<16xf32>
      %parallel_loop3A_172 = arith.subf %parallel_loop3A_171, %parallel_loop3A_169 : vector<16xf32>
      %parallel_loop3A_173 = math.exp %parallel_loop3A_172 : vector<16xf32>
      %parallel_loop3A_174 = arith.constant 1.000000e+00 : f32
      %parallel_loop3A_175 = vector.broadcast %parallel_loop3A_174 : f32 to vector<16xf32>
      %parallel_loop3A_176 = arith.addf %parallel_loop3A_175, %parallel_loop3A_173 : vector<16xf32>
      %parallel_loop3A_177 = arith.constant 1.000000e+00 : f32
      %parallel_loop3A_178 = vector.broadcast %parallel_loop3A_177 : f32 to vector<16xf32>
      %parallel_loop3A_179 = arith.divf %parallel_loop3A_178, %parallel_loop3A_176 : vector<16xf32>
      %parallel_loop3A_180 = arith.index_cast %parallel_loop3A_108 : i32 to index
      %parallel_loop3A_181 = arith.constant 48 : index
      %parallel_loop3A_182 = tpu.vector_load %arg9[%parallel_loop3A_180, %parallel_loop3A_181] {strides = array<i32>} : memref<128x128xf32, #tpu.memory_space<vmem>>, vector<1x16xf32>,
      %parallel_loop3A_183 = vector.shape_cast %parallel_loop3A_182 : vector<1x16xf32> to vector<16xf32>
      %parallel_loop3A_184 = vector.shape_cast %parallel_loop3A_179 : vector<16xf32> to vector<1x16xf32>
      tpu.vector_store %arg9[%parallel_loop3A_180, %parallel_loop3A_181], %parallel_loop3A_184 {strides = array<i32>} : memref<128x128xf32, #tpu.memory_space<vmem>>, vector<1x16xf32>,
      %parallel_loop3A_185 = arith.index_cast %parallel_loop3A_108 : i32 to index
      %parallel_loop3A_186 = arith.constant 64 : index
      %parallel_loop3A_187 = tpu.vector_load %arg9[%parallel_loop3A_185, %parallel_loop3A_186] {strides = array<i32>} : memref<128x128xf32, #tpu.memory_space<vmem>>, vector<1x16xf32>,
      %parallel_loop3A_188 = vector.shape_cast %parallel_loop3A_187 : vector<1x16xf32> to vector<16xf32>
      %parallel_loop3A_189 = arith.constant 0.000000e+00 : f32
      %parallel_loop3A_190 = vector.broadcast %parallel_loop3A_189 : f32 to vector<16xf32>
      %parallel_loop3A_191 = arith.subf %parallel_loop3A_190, %parallel_loop3A_188 : vector<16xf32>
      %parallel_loop3A_192 = math.exp %parallel_loop3A_191 : vector<16xf32>
      %parallel_loop3A_193 = arith.constant 1.000000e+00 : f32
      %parallel_loop3A_194 = vector.broadcast %parallel_loop3A_193 : f32 to vector<16xf32>
      %parallel_loop3A_195 = arith.addf %parallel_loop3A_194, %parallel_loop3A_192 : vector<16xf32>
      %parallel_loop3A_196 = arith.constant 1.000000e+00 : f32
      %parallel_loop3A_197 = vector.broadcast %parallel_loop3A_196 : f32 to vector<16xf32>
      %parallel_loop3A_198 = arith.divf %parallel_loop3A_197, %parallel_loop3A_195 : vector<16xf32>
      %parallel_loop3A_199 = arith.index_cast %parallel_loop3A_108 : i32 to index
      %parallel_loop3A_200 = arith.constant 64 : index
      %parallel_loop3A_201 = tpu.vector_load %arg9[%parallel_loop3A_199, %parallel_loop3A_200] {strides = array<i32>} : memref<128x128xf32, #tpu.memory_space<vmem>>, vector<1x16xf32>,
      %parallel_loop3A_202 = vector.shape_cast %parallel_loop3A_201 : vector<1x16xf32> to vector<16xf32>
      %parallel_loop3A_203 = vector.shape_cast %parallel_loop3A_198 : vector<16xf32> to vector<1x16xf32>
      tpu.vector_store %arg9[%parallel_loop3A_199, %parallel_loop3A_200], %parallel_loop3A_203 {strides = array<i32>} : memref<128x128xf32, #tpu.memory_space<vmem>>, vector<1x16xf32>,
      %parallel_loop3A_204 = arith.index_cast %parallel_loop3A_108 : i32 to index
      %parallel_loop3A_205 = arith.constant 80 : index
      %parallel_loop3A_206 = tpu.vector_load %arg9[%parallel_loop3A_204, %parallel_loop3A_205] {strides = array<i32>} : memref<128x128xf32, #tpu.memory_space<vmem>>, vector<1x16xf32>,
      %parallel_loop3A_207 = vector.shape_cast %parallel_loop3A_206 : vector<1x16xf32> to vector<16xf32>
      %parallel_loop3A_208 = arith.constant 0.000000e+00 : f32
      %parallel_loop3A_209 = vector.broadcast %parallel_loop3A_208 : f32 to vector<16xf32>
      %parallel_loop3A_210 = arith.subf %parallel_loop3A_209, %parallel_loop3A_207 : vector<16xf32>
      %parallel_loop3A_211 = math.exp %parallel_loop3A_210 : vector<16xf32>
      %parallel_loop3A_212 = arith.constant 1.000000e+00 : f32
      %parallel_loop3A_213 = vector.broadcast %parallel_loop3A_212 : f32 to vector<16xf32>
      %parallel_loop3A_214 = arith.addf %parallel_loop3A_213, %parallel_loop3A_211 : vector<16xf32>
      %parallel_loop3A_215 = arith.constant 1.000000e+00 : f32
      %parallel_loop3A_216 = vector.broadcast %parallel_loop3A_215 : f32 to vector<16xf32>
      %parallel_loop3A_217 = arith.divf %parallel_loop3A_216, %parallel_loop3A_214 : vector<16xf32>
      %parallel_loop3A_218 = arith.index_cast %parallel_loop3A_108 : i32 to index
      %parallel_loop3A_219 = arith.constant 80 : index
      %parallel_loop3A_220 = tpu.vector_load %arg9[%parallel_loop3A_218, %parallel_loop3A_219] {strides = array<i32>} : memref<128x128xf32, #tpu.memory_space<vmem>>, vector<1x16xf32>,
      %parallel_loop3A_221 = vector.shape_cast %parallel_loop3A_220 : vector<1x16xf32> to vector<16xf32>
      %parallel_loop3A_222 = vector.shape_cast %parallel_loop3A_217 : vector<16xf32> to vector<1x16xf32>
      tpu.vector_store %arg9[%parallel_loop3A_218, %parallel_loop3A_219], %parallel_loop3A_222 {strides = array<i32>} : memref<128x128xf32, #tpu.memory_space<vmem>>, vector<1x16xf32>,
      %parallel_loop3A_223 = arith.index_cast %parallel_loop3A_108 : i32 to index
      %parallel_loop3A_224 = arith.constant 96 : index
      %parallel_loop3A_225 = tpu.vector_load %arg9[%parallel_loop3A_223, %parallel_loop3A_224] {strides = array<i32>} : memref<128x128xf32, #tpu.memory_space<vmem>>, vector<1x16xf32>,
      %parallel_loop3A_226 = vector.shape_cast %parallel_loop3A_225 : vector<1x16xf32> to vector<16xf32>
      %parallel_loop3A_227 = arith.constant 0.000000e+00 : f32
      %parallel_loop3A_228 = vector.broadcast %parallel_loop3A_227 : f32 to vector<16xf32>
      %parallel_loop3A_229 = arith.subf %parallel_loop3A_228, %parallel_loop3A_226 : vector<16xf32>
      %parallel_loop3A_230 = math.exp %parallel_loop3A_229 : vector<16xf32>
      %parallel_loop3A_231 = arith.constant 1.000000e+00 : f32
      %parallel_loop3A_232 = vector.broadcast %parallel_loop3A_231 : f32 to vector<16xf32>
      %parallel_loop3A_233 = arith.addf %parallel_loop3A_232, %parallel_loop3A_230 : vector<16xf32>
      %parallel_loop3A_234 = arith.constant 1.000000e+00 : f32
      %parallel_loop3A_235 = vector.broadcast %parallel_loop3A_234 : f32 to vector<16xf32>
      %parallel_loop3A_236 = arith.divf %parallel_loop3A_235, %parallel_loop3A_233 : vector<16xf32>
      %parallel_loop3A_237 = arith.index_cast %parallel_loop3A_108 : i32 to index
      %parallel_loop3A_238 = arith.constant 96 : index
      %parallel_loop3A_239 = tpu.vector_load %arg9[%parallel_loop3A_237, %parallel_loop3A_238] {strides = array<i32>} : memref<128x128xf32, #tpu.memory_space<vmem>>, vector<1x16xf32>,
      %parallel_loop3A_240 = vector.shape_cast %parallel_loop3A_239 : vector<1x16xf32> to vector<16xf32>
      %parallel_loop3A_241 = vector.shape_cast %parallel_loop3A_236 : vector<16xf32> to vector<1x16xf32>
      tpu.vector_store %arg9[%parallel_loop3A_237, %parallel_loop3A_238], %parallel_loop3A_241 {strides = array<i32>} : memref<128x128xf32, #tpu.memory_space<vmem>>, vector<1x16xf32>,
      %parallel_loop3A_242 = arith.index_cast %parallel_loop3A_108 : i32 to index
      %parallel_loop3A_243 = arith.constant 112 : index
      %parallel_loop3A_244 = tpu.vector_load %arg9[%parallel_loop3A_242, %parallel_loop3A_243] {strides = array<i32>} : memref<128x128xf32, #tpu.memory_space<vmem>>, vector<1x16xf32>,
      %parallel_loop3A_245 = vector.shape_cast %parallel_loop3A_244 : vector<1x16xf32> to vector<16xf32>
      %parallel_loop3A_246 = arith.constant 0.000000e+00 : f32
      %parallel_loop3A_247 = vector.broadcast %parallel_loop3A_246 : f32 to vector<16xf32>
      %parallel_loop3A_248 = arith.subf %parallel_loop3A_247, %parallel_loop3A_245 : vector<16xf32>
      %parallel_loop3A_249 = math.exp %parallel_loop3A_248 : vector<16xf32>
      %parallel_loop3A_250 = arith.constant 1.000000e+00 : f32
      %parallel_loop3A_251 = vector.broadcast %parallel_loop3A_250 : f32 to vector<16xf32>
      %parallel_loop3A_252 = arith.addf %parallel_loop3A_251, %parallel_loop3A_249 : vector<16xf32>
      %parallel_loop3A_253 = arith.constant 1.000000e+00 : f32
      %parallel_loop3A_254 = vector.broadcast %parallel_loop3A_253 : f32 to vector<16xf32>
      %parallel_loop3A_255 = arith.divf %parallel_loop3A_254, %parallel_loop3A_252 : vector<16xf32>
      %parallel_loop3A_256 = arith.index_cast %parallel_loop3A_108 : i32 to index
      %parallel_loop3A_257 = arith.constant 112 : index
      %parallel_loop3A_258 = tpu.vector_load %arg9[%parallel_loop3A_256, %parallel_loop3A_257] {strides = array<i32>} : memref<128x128xf32, #tpu.memory_space<vmem>>, vector<1x16xf32>,
      %parallel_loop3A_259 = vector.shape_cast %parallel_loop3A_258 : vector<1x16xf32> to vector<16xf32>
      %parallel_loop3A_260 = vector.shape_cast %parallel_loop3A_255 : vector<16xf32> to vector<1x16xf32>
      tpu.vector_store %arg9[%parallel_loop3A_256, %parallel_loop3A_257], %parallel_loop3A_260 {strides = array<i32>} : memref<128x128xf32, #tpu.memory_space<vmem>>, vector<1x16xf32>,
    } {sc.loop_unroll_factor = 2 : i64, sc.parallel_access}
    %add3A_86 = arith.constant 384 : i32
    %add3A_87 = arith.addi %mul3A_2, %add3A_86 : i32
    %dma_start3A_88 = arith.constant 0 : i32
    %dma_start3A_89 = tpu.memref_slice %arg4[%add3A_87, %dma_start3A_88] : memref<16384x128xf32, #tpu.memory_space<hbm>> -> memref<128x128xf32, #tpu.memory_space<hbm>>
    %dma_start3A_90 = arith.constant 0 : i32
    %dma_start3A_91 = tpu.memref_slice %arg4[%add3A_87, %dma_start3A_90] : memref<16384x128xf32, #tpu.memory_space<hbm>> -> memref<128x128xf32, #tpu.memory_space<hbm>>
    tpu.enqueue_dma source(%arg9 : memref<128x128xf32, #tpu.memory_space<vmem>>) target(%dma_start3A_91 : memref<128x128xf32, #tpu.memory_space<hbm>>) target_semaphore(%arg17 : memref<!tpu.dma_semaphore, #tpu.memory_space<semaphore_mem>>)
    %dma_wait3A_92 = arith.constant 0 : i32
    %dma_wait3A_93 = tpu.memref_slice %arg4[%add3A_39, %dma_wait3A_92] : memref<16384x128xf32, #tpu.memory_space<hbm>> -> memref<128x128xf32, #tpu.memory_space<hbm>>
    %dma_wait3A_94 = arith.constant 0 : i32
    %dma_wait3A_95 = tpu.memref_slice %arg4[%add3A_39, %dma_wait3A_94] : memref<16384x128xf32, #tpu.memory_space<hbm>> -> memref<128x128xf32, #tpu.memory_space<hbm>>
    tpu.wait_dma2 semaphore(%arg14 : memref<!tpu.dma_semaphore, #tpu.memory_space<semaphore_mem>>) src(%arg6 : memref<128x128xf32, #tpu.memory_space<vmem>>) dst(%dma_wait3A_95 : memref<128x128xf32, #tpu.memory_space<hbm>>)
    %dma_wait3A_96 = arith.constant 0 : i32
    %dma_wait3A_97 = tpu.memref_slice %arg4[%add3A_55, %dma_wait3A_96] : memref<16384x128xf32, #tpu.memory_space<hbm>> -> memref<128x128xf32, #tpu.memory_space<hbm>>
    %dma_wait3A_98 = arith.constant 0 : i32
    %dma_wait3A_99 = tpu.memref_slice %arg4[%add3A_55, %dma_wait3A_98] : memref<16384x128xf32, #tpu.memory_space<hbm>> -> memref<128x128xf32, #tpu.memory_space<hbm>>
    tpu.wait_dma2 semaphore(%arg15 : memref<!tpu.dma_semaphore, #tpu.memory_space<semaphore_mem>>) src(%arg7 : memref<128x128xf32, #tpu.memory_space<vmem>>) dst(%dma_wait3A_99 : memref<128x128xf32, #tpu.memory_space<hbm>>)
    %dma_wait3A_100 = arith.constant 0 : i32
    %dma_wait3A_101 = tpu.memref_slice %arg4[%add3A_71, %dma_wait3A_100] : memref<16384x128xf32, #tpu.memory_space<hbm>> -> memref<128x128xf32, #tpu.memory_space<hbm>>
    %dma_wait3A_102 = arith.constant 0 : i32
    %dma_wait3A_103 = tpu.memref_slice %arg4[%add3A_71, %dma_wait3A_102] : memref<16384x128xf32, #tpu.memory_space<hbm>> -> memref<128x128xf32, #tpu.memory_space<hbm>>
    tpu.wait_dma2 semaphore(%arg16 : memref<!tpu.dma_semaphore, #tpu.memory_space<semaphore_mem>>) src(%arg8 : memref<128x128xf32, #tpu.memory_space<vmem>>) dst(%dma_wait3A_103 : memref<128x128xf32, #tpu.memory_space<hbm>>)
    %dma_wait3A_104 = arith.constant 0 : i32
    %dma_wait3A_105 = tpu.memref_slice %arg4[%add3A_87, %dma_wait3A_104] : memref<16384x128xf32, #tpu.memory_space<hbm>> -> memref<128x128xf32, #tpu.memory_space<hbm>>
    %dma_wait3A_106 = arith.constant 0 : i32
    %dma_wait3A_107 = tpu.memref_slice %arg4[%add3A_87, %dma_wait3A_106] : memref<16384x128xf32, #tpu.memory_space<hbm>> -> memref<128x128xf32, #tpu.memory_space<hbm>>
    tpu.wait_dma2 semaphore(%arg17 : memref<!tpu.dma_semaphore, #tpu.memory_space<semaphore_mem>>) src(%arg9 : memref<128x128xf32, #tpu.memory_space<vmem>>) dst(%dma_wait3A_107 : memref<128x128xf32, #tpu.memory_space<hbm>>)
    return
  }
}

</mosaic_0001>

<sc_bundles>
// kernel: kernel.3.cloned.1.call-start
scs
__scs_entry_jumppad:
0x0: {  	(pc) =	sbr.rel $0x88, $3  }
0x1: {  	(tag) =	ssettag $0x0;
	lr =	simm.s32 $0x1  }
0x2: {  	[smem:$0x3F9F] =	sst lr;
	_ =	strace $0xD0000000  }
0x3: {  	_ = 	snop  }
0x4: {  	_ = 	snop  }
0x5: {  	_ = 	snop  }
0x6: {  	_ = 	snop  }
0x7: {  	_ = 	snop  }
__scs_overlays_trampoline_lowered:
0x8: {  	[smem:$0x3FAE] =	sst s0  }
0x9: {  	[smem:$0x3FAF] =	sst s1  }
0xa: {  	[smem:$0x3FB0] =	sst s2  }
0xb: {  	[smem:$0x3FB1] =	sst s3  }
0xc: {  	[smem:$0x3FB2] =	sst s4  }
0xd: {  	[smem:$0x3FB3] =	sst s5  }
0xe: {  	[smem:$0x3FB4] =	sst s6  }
0xf: {  	[smem:$0x3FB5] =	sst s7  }
0x10: {  	[smem:$0x3FB6] =	sst s8  }
0x11: {  	[smem:$0x3FB7] =	sst s9;
	s0 =	simm.s32 @!p0 $0x0  }
0x12: {  	s1 =	sld [smem:$0x3F9D];
	s0 =	simm.s32 @p0 $0x1  }
0x13: {  	[smem:$0x3FB8] =	sst s0;
	s0 =	simm.s32 @!p1 $0x0  }
0x14: {  	s2 =	sld [smem:$0x3F9C];
	s0 =	simm.s32 @p1 $0x1  }
0x15: {  	[smem:$0x3FB9] =	sst s0;
	s0 =	simm.s32 @!p2 $0x0  }
0x16: {  	s3 =	sld [smem:$0x3FDB];
	s0 =	simm.s32 @p2 $0x1  }
0x17: {  	s4 =	simm.s32 $0x1BF5;
	[smem:$0x3FBB] =	sst s0  }
0x18: {  	s0 =	sld [smem:$0x3F9E];
	_ =	swait.ge [sflag:s4], $0x0  }
0x19: {  	s7 =	sld [smem:$0x3F9F]  }
0x1a: {  	s8 =	sadd.s32 $0xFFFFE003, lr  }
0x1b: {  	s9 =	sadd.s32 $0xFFFFFEF7, lr;
	s5 =	simm.s32 $0xFFFFFFFF;
	p2 =	slt.u32 s8, $0xFFFFF086  }
0x1c: {  	p1 =	slt.u32 s9, $0xF7A;
	s5 =	simm.s32 @!p2 $0x0  }
0x1d: {  	s5 =	simm.s32 @p1 $0x1;
	p0 =	seq.s32 s7, s2  }
0x1e: {  	s7 =	smul.u32 @!p0 $0xF7A, s2;
	p2 =	seq.s32 @!p0 s5, $0x0  }
0x1f: {  	s9 =	smul.u32 $0xF7A, s1;
	s8 =	simm.s32 @!p0 $0x1BF5;
	p2 =	por !p2, p0  }
0x20: {  	[sflag:s8] =	ssyncset.s32 @!p0 $0xFFFFF086;
	s6 =	sadd.s32 @!p0 s3, s7;
	s7 =	simm.s32 @!p0 $0x108  }
0x21: {  	s3 =	sadd.s32 s3, s9;
	s6 =	sadd.s32 @!p0 $0x88, s6;
	s7 =	simm.s32 @p2 $0x1082  }
0x22: {  	[simem:s7], [sflag:s8] =	dma.local @!p0 [hbm:s6], $0xF7A  }
0x23: {  	s9 =	sor.u32 $0xD0000000, s2;
	s6 =	simm.s32 $0x108;
	_ =	swait.ge @!p0 [sflag:s8], $0x0  }
0x24: {  	s3 =	sadd.s32 $0x88, s3;
	s6 =	simm.s32 @!p1 $0x1082;
	[sflag:s4] =	ssyncset.s32 $0xFFFFF086  }
0x25: {  	[simem:s6], [sflag:s4] =	dma.local [hbm:s3], $0xF7A  }
0x26: {  	[smem:$0x3F9F] =	sst s1;
	(tag) =	ssettag s2;
	_ =	strace s9  }
0x27: {  	s1 =	sld [smem:$0x3FAF]  }
0x28: {  	s2 =	sld [smem:$0x3FB0]  }
0x29: {  	s4 =	sld [smem:$0x3FB2]  }
0x2a: {  	p0 =	seq.s32 s5, $0x0;
	s5 =	sld [smem:$0x3FB3]  }
0x2b: {  	s6 =	sld [smem:$0x3FB4]  }
0x2c: {  	s7 =	sld [smem:$0x3FB5]  }
0x2d: {  	s3 =	simm.s32 $0x108;
	s8 =	sld [smem:$0x3FB6]  }
0x2e: {  	s3 =	simm.s32 @!p0 $0x1082;
	s9 =	sld [smem:$0x3FB7]  }
0x2f: {  	lr =	sadd.s32 s0, s3;
	s0 =	sld [smem:$0x3FAE]  }
0x30: {  	s3 =	sld [smem:$0x3FB1]  }
0x31: {  	[smem:$0x3FBA] =	sst s10  }
0x32: {  	s10 =	sld [smem:$0x3FB8];
	_ =	sdelay $0x3  }
0x33: {  	p0 =	seq.s32 s10, $0x1;
	s10 =	sld [smem:$0x3FBA];
	_ =	sdelay $0x3  }
0x34: {  	[smem:$0x3FBA] =	sst s10  }
0x35: {  	s10 =	sld [smem:$0x3FB9];
	_ =	sdelay $0x3  }
0x36: {  	p1 =	seq.s32 s10, $0x1;
	s10 =	sld [smem:$0x3FBA];
	_ =	sdelay $0x3  }
0x37: {  	[smem:$0x3FBA] =	sst s10  }
0x38: {  	s10 =	sld [smem:$0x3FBB]  }
0x39: {  	_ = 	snop;
	(pc) =	sbr.ind lr, $3  }
0x3a: {  	_ = 	snop  }
0x3b: {  	_ = 	snop  }
0x3c: {  	p2 =	seq.s32 s10, $0x1;
	s10 =	sld [smem:$0x3FBA]  }
0x3d: {  	_ =	shalt  }
0x3e: {  	_ =	shalt  }
0x3f: {  	_ =	shalt  }
0x40: {  	_ =	shalt  }
0x41: {  	_ =	shalt  }
0x42: {  	_ =	shalt  }
0x43: {  	_ =	shalt  }
0x44: {  	_ =	shalt  }
0x45: {  	_ =	shalt  }
0x46: {  	_ =	shalt  }
0x47: {  	_ =	shalt  }
0x48: {  	_ =	shalt  }
0x49: {  	_ =	shalt  }
0x4a: {  	_ =	shalt  }
0x4b: {  	_ =	shalt  }
0x4c: {  	_ =	shalt  }
0x4d: {  	_ =	shalt  }
0x4e: {  	_ =	shalt  }
0x4f: {  	_ =	shalt  }
0x50: {  	_ =	shalt  }
0x51: {  	_ =	shalt  }
0x52: {  	_ =	shalt  }
0x53: {  	_ =	shalt  }
0x54: {  	_ =	shalt  }
0x55: {  	_ =	shalt  }
0x56: {  	_ =	shalt  }
0x57: {  	_ =	shalt  }
0x58: {  	_ =	shalt  }
0x59: {  	_ =	shalt  }
0x5a: {  	_ =	shalt  }
0x5b: {  	_ =	shalt  }
0x5c: {  	_ =	shalt  }
0x5d: {  	_ =	shalt  }
0x5e: {  	_ =	shalt  }
0x5f: {  	_ =	shalt  }
0x60: {  	_ =	shalt  }
0x61: {  	_ =	shalt  }
0x62: {  	_ =	shalt  }
0x63: {  	_ =	shalt  }
0x64: {  	_ =	shalt  }
0x65: {  	_ =	shalt  }
0x66: {  	_ =	shalt  }
0x67: {  	_ =	shalt  }
0x68: {  	_ =	shalt  }
0x69: {  	_ =	shalt  }
0x6a: {  	_ =	shalt  }
0x6b: {  	_ =	shalt  }
0x6c: {  	_ =	shalt  }
0x6d: {  	_ =	shalt  }
0x6e: {  	_ =	shalt  }
0x6f: {  	_ =	shalt  }
0x70: {  	_ =	shalt  }
0x71: {  	_ =	shalt  }
0x72: {  	_ =	shalt  }
0x73: {  	_ =	shalt  }
0x74: {  	_ =	shalt  }
0x75: {  	_ =	shalt  }
0x76: {  	_ =	shalt  }
0x77: {  	_ =	shalt  }
0x78: {  	_ =	shalt  }
0x79: {  	_ =	shalt  }
0x7a: {  	_ =	shalt  }
0x7b: {  	_ =	shalt  }
0x7c: {  	_ =	shalt  }
0x7d: {  	_ =	shalt  }
0x7e: {  	_ =	shalt  }
0x7f: {  	_ =	shalt  }
0x80: {  	_ =	shalt  }
0x81: {  	_ =	shalt  }
0x82: {  	_ =	shalt  }
0x83: {  	_ =	shalt  }
0x84: {  	_ =	shalt  }
0x85: {  	_ =	shalt  }
0x86: {  	_ =	shalt  }
0x87: {  	_ =	shalt  }
.Lfunc_end0:
.L_simem_size_0:
called_computation_lowered:
.L_overlay_start_0:
0x88: {  	s2 =	sld [smem:$0x3FD9]  }
0x89: {  	s3 =	sld [smem:$0x3FFE];
	_ =	sdelay $0x1  }
0x8a: {  	s1 =	srdreg.scid  }
0x8b: {  	s0 =	sand.u32 $0x1, s1  }
0x8c: {  	s18 =	sshll.u32 s0, $0xA;
	s2 =	sadd.s32 s3, s2  }
0x8d: {  	s2 =	sadd.s32 s2, s18  }
0x8e: {  	[smem:$0x3FC6] =	sst s2  }
0x8f: {  	_ = 	snop  }
0x90: {  	s2 =	sld [smem:$0x3FC9]  }
0x91: {  	s19 =	sld [smem:$0x3FC8]  }
0x92: {  	s4 =	sld [smem:$0x3FD0];
	(tm) =	ssettm $0x1  }
0x93: {  	s5 =	sld [smem:$0x3FFB];
	_ =	sdelay $0x3  }
0x94: {  	_ =	strace s5  }
0x95: {  	s5 =	sld [smem:$0x3FFC];
	_ =	sdelay $0x3  }
0x96: {  	_ =	strace s5  }
0x97: {  	s5 =	sld [smem:$0x3FFD];
	_ =	sdelay $0x3  }
0x98: {  	_ =	strace s5  }
0x99: {  	_ =	strace $0x8FFFFFFF  }
0x9a: {  	s20 =	sld [smem:$0x3FDB];
	_ =	sdelay $0x1  }
0x9b: {  	s6 =	simm.s32 $_scs_section_size  }
0x9c: {  	s7 =	simm.s32 $_size__tile_overlayer_lowered;
	s8 =	simm.s32 $_tile_overlayer_lowered  }
0x9d: {  	s23 =	simm.s32 $0x1BFF;
	s22 =	sshll.u32 s8, $0x1;
	s5 =	sadd.s32 s6, s20  }
0x9e: {  	s9 =	simm.s32 $0x0;
	s21 =	sshll.u32 s7, $0x1;
	s7 =	sadd.s32 s22, s5  }
0x9f: {  	[timem:s9], [sflag:s23] =	dma.local [hbm:s7], s21  }
0xa0: {  	_ =	swait.ge [sflag:s23], s21  }
0xa1: {  	s6 =	ssub.s32 $0x0, s21;
	[sflag:s23] =	ssyncset.done $0x0  }
0xa2: {  	[sflag:s23] =	ssyncadd.s32 s6;
	_ =	sdelay $0x1  }
0xa3: {  	s24 =	simm.s32 $0x1B8B  }
0xa4: {  	_ =	swait.ge [sflag:s24], $0x1  }
0xa5: {  	[sflag:s24] =	ssyncset.done $0x0  }
0xa6: {  	s25 =	simm.s32 $0x1B8E;
	[sflag:s24] =	ssyncadd.s32 $0xFFFFFFFF  }
0xa7: {  	s26 =	simm.s32 $execute0_lowered;
	[smem:$0x3FD2] =	sst s25  }
0xa8: {  	s6 =	sshll.u32 s26, $0x1;
	_ =	strace $0x80000046;
	[dreg:$0x1] =	wrdreg $0xFFFFFFFF  }
0xa9: {  	s28 =	simm.s32 $_size_execute0_lowered;
	s5 =	sadd.s32 s5, s6;
	[dreg:$0x0] =	wrdreg $0x0  }
0xaa: {  	s6 =	sshll.u32 s28, $0x1;
	[dreg:$0x2] =	wrdreg s5  }
0xab: {  	[dreg:$0x3] =	wrdreg s6  }
0xac: {  	[dreg:$0x4] =	wrdreg $0xC0  }
0xad: {  	_ =	task [dreg:s9], $0x5FFFF  }
0xae: {  	[dreg:$0x1] =	wrdreg $0xFFFFFFFF  }
0xaf: {  	[dreg:$0x0] =	wrdreg $0x60  }
0xb0: {  	[dreg:$0x2] =	wrdreg s19  }
0xb1: {  	[dreg:$0x3] =	wrdreg s2  }
0xb2: {  	[dreg:$0x4] =	wrdreg s4  }
0xb3: {  	[dreg:$0x5] =	wrdreg $0x9  }
0xb4: {  	_ =	task.clear_ibuf [dreg:s9], $0x6FFFF;
	_ =	strace $0x90000046  }
0xb5: {  	s29 =	simm.s32 $0x9;
	_ =	strace $0x80000048  }
0xb6: {  	_ =	swait.ge [sflag:s29], $0x1  }
0xb7: {  	[sflag:s29] =	ssyncadd.s32 $0xFFFFFFFF  }
0xb8: {  	_ =	strace $0x90000048  }
0xb9: {  	_ =	sfence  }
0xba: {  	s30 =	sld [smem:$0x0];
	_ =	sdelay $0x2  }
0xbb: {  	s31 =	sshll.u32 s1, $0xD;
	s1 =	sshrl.u32 s1, $0x2  }
0xbc: {  	s3 =	sand.u32 $0x4000, s31;
	s1 =	sadd.s32 s1, s30  }
0xbd: {  	s0 =	sor.u32 s3, s0;
	s1 =	sshll.u32 s1, $0x11  }
0xbe: {  	s0 =	sor.u32 s1, s0  }
0xbf: {  	s0 =	sadd.s32 $0x8F2B, s0  }
0xc0: {  	[sflag:s0] =	ssyncadd.remote.s32 $0x1  }
0xc1: {  	_ =	sfence.sel $0xFFFF  }
0xc2: {  	[dreg:$0x0] =	wrdreg $0xFFFFFFFF;
	(pc) =	sbr.abs _section_cstart, $3  }
0xc3: {  	[dreg:$0x1] =	wrdreg $0xFFFFFFFF  }
0xc4: {  	_ =	task.clear_ibuf [dreg:s9], $0x2FFFF;
	_ =	strace $0x9FFFFFFF  }
0xc5: {  	(tm) =	ssettm $0x7FFFFFFF  }
tec
execute0_lowered:
.L_overlay_start_1:
0x0: {  	(tag) =	ssettag $0x1  }
0x1: {  	s1 =	rddreg [dreg:$0x0]  }
0x2: {  	s4 =	rddreg [dreg:$0x1]  }
0x3: {  	s5 =	rddreg [dreg:$0x2]  }
0x4: {  	s0 =	rddreg [dreg:$0x3];
	s6 =	srdreg.scid  }
0x5: {  	s3 =	simm.s32 $0x0;
	s2 =	stileid.u32;
	s11 =	simm.s32 $0x80  }
0x6: {  	s12 =	simm.s32 $0x200;
	s13 =	simm.s32 $0x4200;
	s14 =	simm.s32 $0x100  }
0x7: {  	s15 =	simm.s32 $0x8200;
	s16 =	simm.s32 $0x180;
	s17 =	simm.s32 $0xC200  }
0x8: {  	s18 =	simm.s32 $0x1;
	s19 =	simm.s32 $0x2;
	s20 =	simm.s32 $0x3  }
0x9: {  	s21 =	simm.s32 $0x4;
	s22 =	simm.s32 $0x5;
	s23 =	simm.s32 $0x6  }
0xa: {  	s24 =	simm.s32 $0x7;
	s25 =	simm.s32 $0x8;
	s6 =	sand.u32 $0x1, s6  }
0xb: {  	s26 =	simm.s32 $0x0;
	s8 =	sshll.u32 s2, $0x9;
	s7 =	sshll.u32 s6, $0xD  }
0xc: {  	[smem:$0x7FF] =	sst s3;
	s6 =	ssub.s32 $0x2, s6;
	s7 =	sor.u32 s8, s7  }
0xd: {  	_ =	strace $0x80000047;
	s31 =	sshrl.u32 s6, $0x1;
	s9 =	sshrl.u32 s7, $0x3  }
0xe: {  	s7 =	sshll.u32 s7, $0x4;
	s10 =	ssub.s32 s6, s31;
	s4 =	sadd.s32 s4, s9  }
0xf: {  	s5 =	sadd.s32 s5, s7;
	s9 =	smax.u32 s10, $0x1;
	s10 =	simm.s32 $0x9  }
0x10: {  	s6 =	sadd.s32 $0x800, s5;
	s7 =	sadd.s32 $0x1000, s5;
	s8 =	sadd.s32 $0x1800, s5  }
.LBB2_1:
0x11: {  	[tilespmem:s3], [sflag:$0x9] =	stream.linear.gather [hbm4b:s4+s3], $0x200, $0x38;
	[tilespmem:$0x10200] =	vst v63  }
0x12: {  	_ =	swait.ge [sflag:s10], $0x200  }
0x13: {  	[sflag:s10] =	ssyncset.done $0x0  }
0x14: {  	[sflag:s10] =	ssyncadd.s32 $0xFFFFFE00  }
0x15: {  	[tilespmem:s12], [sflag:$0x1] =	stream.indirect.gather [hbm4b:s1+s11], $0x80, s3, s11, $0xb8;
	[tilespmem:$0x10200] =	vst v63  }
0x16: {  	_ = 	snop  }
0x17: {  	[tilespmem:s13], [sflag:$0x2] =	stream.indirect.gather [hbm4b:s1+s11], $0x80, s11, s11, $0xb8;
	[tilespmem:$0x10200] =	vst v63  }
0x18: {  	_ = 	snop  }
0x19: {  	[tilespmem:s15], [sflag:$0x3] =	stream.indirect.gather [hbm4b:s1+s11], $0x80, s14, s11, $0xb8;
	[tilespmem:$0x10200] =	vst v63  }
0x1a: {  	_ = 	snop  }
0x1b: {  	[tilespmem:s17], [sflag:$0x4] =	stream.indirect.gather [hbm4b:s1+s11], $0x80, s16, s11, $0xb8;
	[tilespmem:$0x10200] =	vst v63  }
0x1c: {  	_ =	swait.ge [sflag:s18], $0x4000  }
0x1d: {  	[sflag:s18] =	ssyncset.done $0x0  }
0x1e: {  	s28 =	simm.s32 $0x280;
	[sflag:s18] =	ssyncadd.s32 $0xFFFFC000  }
0x1f: {  	v0 =	vld [tilespmem:s28+$0x40]  }
0x20: {  	v1 =	vld [tilespmem:s28+$0xFFFFFFA0]  }
0x21: {  	v2 =	vld [tilespmem:s28+$0xFFFFFF80]  }
0x22: {  	v3 =	vld [tilespmem:s28+$0x60]  }
0x23: {  	v4 =	vld [tilespmem:s28+$0x0]  }
0x24: {  	v5 =	vld [tilespmem:s28+$0xFFFFFF90];
	v0 =	vsub.f32 $0.0e+00, v0  }
0x25: {  	v6 =	vld [tilespmem:s28+$0x70];
	v1 =	vsub.f32 $0.0e+00, v1  }
0x26: {  	v7 =	vld [tilespmem:s28+$0x50];
	v2 =	vsub.f32 $0.0e+00, v2;
	v0 =	vmul.f32 $1.442695020e+00, v0  }
0x27: {  	s29 =	simm.s32 $0x380;
	v8 =	vld [tilespmem:s28+$0xFFFFFFF0];
	v3 =	vsub.f32 $0.0e+00, v3;
	v1 =	vmul.f32 $1.442695020e+00, v1  }
0x28: {  	v10 =	vld [tilespmem:s29+$0xFFFFFFA0];
	v4 =	vsub.f32 $0.0e+00, v4;
	v2 =	vmul.f32 $1.442695020e+00, v2;
	(erf) = vpow2.f32 v0  }
0x29: {  	v14 =	vld [tilespmem:s29+$0x70];
	v5 =	vsub.f32 $0.0e+00, v5;
	v3 =	vmul.f32 $1.442695020e+00, v3;
	(erf) = vpow2.f32 v1  }
0x2a: {  	v12 =	vld [tilespmem:s29+$0xFFFFFF80];
	v4 =	vmul.f32 $1.442695020e+00, v4;
	(erf) = vpow2.f32 v2  }
0x2b: {  	v18 =	vld [tilespmem:s29+$0x40];
	v5 =	vmul.f32 $1.442695020e+00, v5;
	(erf) = vpow2.f32 v3  }
0x2c: {  	v8 =	vsub.f32 $0.0e+00, v8;
	v0 =	vld [tilespmem:s28+$0x30];
	(erf) = vpow2.f32 v4  }
0x2d: {  	v19 =	vld [tilespmem:s29+$0x30];
	v1 =	vsub.f32 $0.0e+00, v6;
	(erf) = vpow2.f32 v5;
	v5 =	vsub.f32 $0.0e+00, v7  }
0x2e: {  	v10 =	vsub.f32 $0.0e+00, v10;
	v14 =	vsub.f32 $0.0e+00, v14;
	v6 =	vld [tilespmem:s28+$0x10]  }
0x2f: {  	v12 =	vsub.f32 $0.0e+00, v12;
	v1 =	vmul.f32 $1.442695020e+00, v1;
	v7 =	vld [tilespmem:s28+$0x20];
	v5 =	vmul.f32 $1.442695020e+00, v5  }
0x30: {  	v8 =	vmul.f32 $1.442695020e+00, v8;
	v21 =	vmul.f32 $1.442695020e+00, v14;
	v14 =	vsub.f32 $0.0e+00, v18;
	v2 =	vld [tilespmem:s28+$0xFFFFFFD0]  }
0x31: {  	v10 =	vmul.f32 $1.442695020e+00, v10;
	v0 =	vsub.f32 $0.0e+00, v0;
	(erf) = vpow2.f32 v1  }
0x32: {  	v12 =	vmul.f32 $1.442695020e+00, v12;
	v18 =	vsub.f32 $0.0e+00, v19;
	v14 =	vmul.f32 $1.442695020e+00, v14;
	v4 =	vld [tilespmem:s28+$0xFFFFFFE0];
	v9 =	vpop (erf)  }
0x33: {  	v1 =	vld [tilespmem:s28+$0xFFFFFFC0];
	v6 =	vsub.f32 $0.0e+00, v6;
	v11 =	vmul.f32 $1.442695020e+00, v0;
	(erf) = vpow2.f32 v5;
	v5 =	vpop (erf)  }
0x34: {  	v23 =	vmul.f32 $1.442695020e+00, v18;
	v3 =	vld [tilespmem:s28+$0xFFFFFFB0];
	v7 =	vsub.f32 $0.0e+00, v7;
	v5 =	vadd.f32 $1.000000000e+00, v5  }
0x35: {  	v20 =	vld [tilespmem:s29+$0x10];
	v2 =	vsub.f32 $0.0e+00, v2;
	v6 =	vmul.f32 $1.442695020e+00, v6;
	(erf) = vpow2.f32 v11;
	v0 =	vpop (erf)  }
0x36: {  	v11 =	vld [tilespmem:s29+$0x60];
	v7 =	vmul.f32 $1.442695020e+00, v7;
	v13 =	vpop (erf);
	(erf) = vrcp.f32 v5  }
0x37: {  	v4 =	vsub.f32 $0.0e+00, v4;
	v2 =	vmul.f32 $1.442695020e+00, v2;
	v15 =	vpop (erf);
	v5 =	vld [tilespmem:s29+$0x50];
	(erf) = vpow2.f32 v8  }
0x38: {  	v1 =	vsub.f32 $0.0e+00, v1;
	v8 =	vadd.f32 $1.000000000e+00, v15;
	v15 =	vld [tilespmem:s29+$0x0];
	(erf) = vpow2.f32 v7  }
0x39: {  	v3 =	vsub.f32 $0.0e+00, v3;
	v4 =	vmul.f32 $1.442695020e+00, v4;
	v16 =	vpop (erf);
	(erf) = vpow2.f32 v2;
	v2 =	vld [tilespmem:s29+$0xFFFFFFD0]  }
0x3a: {  	v20 =	vsub.f32 $0.0e+00, v20;
	v1 =	vmul.f32 $1.442695020e+00, v1;
	v17 =	vpop (erf);
	(erf) = vpow2.f32 v6  }
0x3b: {  	v3 =	vmul.f32 $1.442695020e+00, v3;
	v17 =	vadd.f32 $1.000000000e+00, v17;
	v6 =	vld [tilespmem:s29+$0xFFFFFF90];
	(erf) = vpow2.f32 v4  }
0x3c: {  	v11 =	vsub.f32 $0.0e+00, v11;
	v7 =	vpop (erf);
	v5 =	vsub.f32 $0.0e+00, v5;
	v4 =	vld [tilespmem:s29+$0xFFFFFFB0];
	(erf) = vpow2.f32 v1  }
0x3d: {  	v19 =	vld [tilespmem:s29+$0xFFFFFFC0];
	v7 =	vadd.f32 $1.000000000e+00, v7;
	v15 =	vsub.f32 $0.0e+00, v15;
	(erf) = vpow2.f32 v3  }
0x3e: {  	v1 =	vpop (erf);
	v22 =	vmul.f32 $1.442695020e+00, v5;
	v5 =	vld [tilespmem:s29+$0xFFFFFFE0];
	(erf) = vrcp.f32 v17;
	v2 =	vsub.f32 $0.0e+00, v2  }
0x3f: {  	v18 =	vld [tilespmem:s29+$0x20];
	v11 =	vmul.f32 $1.442695020e+00, v11;
	v1 =	vadd.f32 $1.000000000e+00, v1;
	v17 =	vpop (erf);
	(erf) = vrcp.f32 v7  }
0x40: {  	v15 =	vmul.f32 $1.442695020e+00, v15;
	v7 =	vsub.f32 $0.0e+00, v6;
	v24 =	vpop (erf);
	(erf) = vpow2.f32 v14  }
0x41: {  	v6 =	vadd.f32 $1.000000000e+00, v16;
	v4 =	vsub.f32 $0.0e+00, v4;
	v16 =	vpop (erf);
	(erf) = vrcp.f32 v1  }
0x42: {  	v19 =	vsub.f32 $0.0e+00, v19;
	v14 =	vld [tilespmem:s29+$0xFFFFFFF0];
	v3 =	vmul.f32 $1.442695020e+00, v2;
	(erf) = vpow2.f32 v10;
	v2 =	vpop (erf)  }
0x43: {  	v1 =	vmul.f32 $1.442695020e+00, v4;
	v4 =	vsub.f32 $0.0e+00, v5;
	(erf) = vpow2.f32 v12;
	v12 =	vpop (erf)  }
0x44: {  	v10 =	vmul.f32 $1.442695020e+00, v7;
	v5 =	vsub.f32 $0.0e+00, v18;
	v25 =	vpop (erf);
	(erf) = vrcp.f32 v8  }
0x45: {  	v4 =	vmul.f32 $1.442695020e+00, v4;
	v8 =	vadd.f32 $1.000000000e+00, v9;
	(erf) = vpow2.f32 v11;
	v9 =	vpop (erf)  }
0x46: {  	[tilespmem:s28+$0xFFFFFFA0] =	vst v17;
	v17 =	vadd.f32 $1.000000000e+00, v2;
	v7 =	vmul.f32 $1.442695020e+00, v5;
	(erf) = vpow2.f32 v15;
	v18 =	vpop (erf)  }
0x47: {  	v5 =	vmul.f32 $1.442695020e+00, v19;
	v11 =	vsub.f32 $0.0e+00, v14;
	(erf) = vpow2.f32 v10;
	v19 =	vpop (erf)  }
0x48: {  	v12 =	vadd.f32 $1.000000000e+00, v12;
	v14 =	vadd.f32 $1.000000000e+00, v16;
	(erf) = vpow2.f32 v21;
	v16 =	vpop (erf)  }
0x49: {  	v15 =	vadd.f32 $1.000000000e+00, v24;
	v10 =	vmul.f32 $1.442695020e+00, v11;
	v2 =	vpop (erf);
	(erf) = vrcp.f32 v8  }
0x4a: {  	v18 =	vadd.f32 $1.000000000e+00, v18;
	[tilespmem:s28+$0x70] =	vst v19;
	v8 =	vadd.f32 $1.000000000e+00, v25;
	(erf) = vpow2.f32 v22;
	v19 =	vpop (erf)  }
0x4b: {  	v11 =	vadd.f32 $1.000000000e+00, v9;
	v9 =	vmul.f32 $1.442695020e+00, v20;
	[tilespmem:s28+$0x50] =	vst v16;
	v20 =	vpop (erf);
	(erf) = vpow2.f32 v23  }
0x4c: {  	s30 =	simm.s32 $0x2;
	s31 =	simm.s32 $0x480;
	v16 =	vadd.f32 $1.000000000e+00, v13;
	[tilespmem:s28+$0x30] =	vst v19;
	v19 =	vadd.f32 $1.000000000e+00, v20;
	v13 =	vpop (erf);
	(erf) = vrcp.f32 v8  }
.LBB2_2:
0x4d: {  	v20 =	vld [tilespmem:s31+$0xFFFFFFA0];
	s30 =	sadd.s32 $0x2, s30;
	(erf) = vrcp.f32 v18;
	v18 =	vpop (erf)  }
0x4e: {  	v21 =	vld [tilespmem:s31+$0xFFFFFF80];
	p0 =	slt.u32 s30, $0x7E;
	v8 =	vpop (erf);
	[tilespmem:s28+$0x0] =	vst v18;
	(erf) = vrcp.f32 v17  }
0x4f: {  	v17 =	vld [tilespmem:s31+$0x70];
	v18 =	vpop (erf);
	(erf) = vrcp.f32 v15  }
0x50: {  	v15 =	vld [tilespmem:s31+$0x60];
	v22 =	vpop (erf);
	(erf) = vrcp.f32 v19  }
0x51: {  	v26 =	vadd.f32 $1.000000000e+00, v0;
	v0 =	vmov v13;
	v19 =	vld [tilespmem:s31+$0x50];
	v23 =	vpop (erf);
	(erf) = vrcp.f32 v14  }
0x52: {  	v13 =	vsub.f32 $0.0e+00, v20;
	v14 =	vld [tilespmem:s31+$0x40];
	v20 =	vadd.f32 $1.000000000e+00, v23;
	(erf) = vrcp.f32 v6;
	v6 =	vpop (erf)  }
0x53: {  	v18 =	vadd.f32 $1.000000000e+00, v18;
	v21 =	vsub.f32 $0.0e+00, v21;
	v23 =	vld [tilespmem:s31+$0x30];
	v25 =	vpop (erf);
	[tilespmem:s28+$0x40] =	vst v6;
	(erf) = vrcp.f32 v26  }
0x54: {  	v13 =	vmul.f32 $1.442695020e+00, v13;
	v6 =	vld [tilespmem:s31+$0x0];
	v17 =	vsub.f32 $0.0e+00, v17;
	v24 =	vpop (erf);
	(erf) = vrcp.f32 v12  }
0x55: {  	v12 =	vmul.f32 $1.442695020e+00, v21;
	v21 =	vld [tilespmem:s31+$0x10];
	v15 =	vsub.f32 $0.0e+00, v15;
	(erf) = vpow2.f32 v10;
	v10 =	vpop (erf)  }
0x56: {  	v26 =	vld [tilespmem:s31+$0xFFFFFFD0];
	v27 =	vmul.f32 $1.442695020e+00, v17;
	v17 =	vadd.f32 $1.000000000e+00, v25;
	[tilespmem:s28+$0xFFFFFFE0] =	vst v10;
	v10 =	vpop (erf);
	(erf) = vrcp.f32 v16  }
0x57: {  	v16 =	vld [tilespmem:s31+$0xFFFFFF90];
	v14 =	vsub.f32 $0.0e+00, v14;
	v25 =	vmul.f32 $1.442695020e+00, v15;
	[tilespmem:s28+$0xFFFFFFB0] =	vst v10;
	(erf) = vrcp.f32 v11;
	v10 =	vpop (erf)  }
0x58: {  	v15 =	vsub.f32 $0.0e+00, v19;
	v19 =	vadd.f32 $1.000000000e+00, v24;
	v11 =	vld [tilespmem:s31+$0xFFFFFFB0];
	(erf) = vpow2.f32 v7;
	[tilespmem:s28+$0xFFFFFFD0] =	vst v10;
	v7 =	vpop (erf)  }
0x59: {  	v23 =	vsub.f32 $0.0e+00, v23;
	v10 =	vld [tilespmem:s31+$0xFFFFFFC0];
	v14 =	vmul.f32 $1.442695020e+00, v14;
	v24 =	vpop (erf);
	(erf) = vpow2.f32 v3;
	[tilespmem:s28+$0xFFFFFFF0] =	vst v7  }
0x5a: {  	v29 =	vsub.f32 $0.0e+00, v6;
	v28 =	vmul.f32 $1.442695020e+00, v15;
	[tilespmem:s29+$0xFFFFFFA0] =	vst v24;
	(erf) = vpow2.f32 v9;
	v6 =	vpop (erf)  }
0x5b: {  	v23 =	vmul.f32 $1.442695020e+00, v23;
	v7 =	vsub.f32 $0.0e+00, v26;
	v9 =	vld [tilespmem:s31+$0xFFFFFFE0];
	(erf) = vpow2.f32 v4;
	[tilespmem:s28+$0x20] =	vst v6;
	v4 =	vpop (erf)  }
0x5c: {  	v21 =	vsub.f32 $0.0e+00, v21;
	v24 =	vmul.f32 $1.442695020e+00, v29;
	v15 =	vld [tilespmem:s31+$0x20];
	(erf) = vpow2.f32 v5;
	[tilespmem:s28+$0xFFFFFF90] =	vst v4;
	v3 =	vpop (erf)  }
0x5d: {  	v6 =	vadd.f32 $1.000000000e+00, v22;
	v4 =	vsub.f32 $0.0e+00, v16;
	(erf) = vpow2.f32 v1;
	[tilespmem:s28+$0xFFFFFF80] =	vst v3;
	v1 =	vpop (erf)  }
0x5e: {  	v5 =	vsub.f32 $0.0e+00, v11;
	v10 =	vsub.f32 $0.0e+00, v10;
	v11 =	vld [tilespmem:s31+$0xFFFFFFF0];
	v16 =	vpop (erf);
	(erf) = vrcp.f32 v20;
	[tilespmem:s28+$0x10] =	vst v1  }
0x5f: {  	v3 =	vmul.f32 $1.442695020e+00, v7;
	(erf) = vrcp.f32 v17;
	v7 =	vpop (erf)  }
0x60: {  	v1 =	vmul.f32 $1.442695020e+00, v5;
	v5 =	vsub.f32 $0.0e+00, v9;
	(erf) = vpow2.f32 v14;
	[tilespmem:s28+$0x60] =	vst v7;
	v7 =	vpop (erf)  }
0x61: {  	v9 =	vmul.f32 $1.442695020e+00, v4;
	v14 =	vsub.f32 $0.0e+00, v15;
	v17 =	vpop (erf);
	(erf) = vrcp.f32 v19;
	[tilespmem:s28+$0xFFFFFFC0] =	vst v7;
	s28 =	smov.u32 s29;
	s29 =	smov.u32 s31  }
0x62: {  	v4 =	vmul.f32 $1.442695020e+00, v5;
	(erf) = vpow2.f32 v13;
	v13 =	vadd.f32 $1.000000000e+00, v2;
	v2 =	vpop (erf)  }
0x63: {  	v19 =	vsub.f32 $0.0e+00, v11;
	v7 =	vmul.f32 $1.442695020e+00, v14;
	(erf) = vpow2.f32 v12;
	v12 =	vpop (erf)  }
0x64: {  	v15 =	vadd.f32 $1.000000000e+00, v16;
	v5 =	vmul.f32 $1.442695020e+00, v10;
	v16 =	vpop (erf);
	(erf) = vrcp.f32 v18  }
0x65: {  	v14 =	vadd.f32 $1.000000000e+00, v17;
	v10 =	vmul.f32 $1.442695020e+00, v19;
	(erf) = vpow2.f32 v25;
	v11 =	vpop (erf)  }
0x66: {  	v17 =	vadd.f32 $1.000000000e+00, v2;
	v12 =	vadd.f32 $1.000000000e+00, v12;
	(erf) = vpow2.f32 v24;
	v2 =	vpop (erf)  }
0x67: {  	v11 =	vadd.f32 $1.000000000e+00, v11;
	(erf) = vpow2.f32 v9;
	v18 =	vadd.f32 $1.000000000e+00, v2;
	v2 =	vpop (erf)  }
.Ltmp0:
0x68: {  	v20 =	vadd.f32 $1.000000000e+00, v16;
	(erf) = vpow2.f32 v27;
	[tilespmem:s28+$0x70] =	vst v2;
	v9 =	vpop (erf);
	(pc) =	sbr.rel @p0 .LBB2_2-.Ltmp0, $4  }
0x69: {  	v2 =	vpop (erf);
	[tilespmem:s28+$0x50] =	vst v9;
	(erf) = vrcp.f32 v13  }
0x6a: {  	(erf) = vpow2.f32 v28;
	v13 =	vpop (erf)  }
0x6b: {  	v16 =	vadd.f32 $1.000000000e+00, v8;
	v9 =	vmul.f32 $1.442695020e+00, v21;
	v19 =	vpop (erf);
	(erf) = vpow2.f32 v23;
	[tilespmem:s28+$0x30] =	vst v13  }
0x6c: {  	s31 =	sadd.s32 $0x100, s31;
	v19 =	vadd.f32 $1.000000000e+00, v19;
	v13 =	vpop (erf);
	(erf) = vrcp.f32 v20  }
0x6d: {  	(erf) = vrcp.f32 v18;
	v8 =	vpop (erf)  }
0x6e: {  	v18 =	vpop (erf);
	(erf) = vrcp.f32 v17  }
0x6f: {  	v17 =	vpop (erf);
	(erf) = vrcp.f32 v15  }
0x70: {  	v0 =	vadd.f32 $1.000000000e+00, v0;
	v15 =	vpop (erf);
	(erf) = vrcp.f32 v19  }
0x71: {  	v19 =	vpop (erf);
	(erf) = vrcp.f32 v14  }
0x72: {  	(erf) = vrcp.f32 v6;
	v6 =	vpop (erf)  }
0x73: {  	v14 =	vpop (erf);
	(erf) = vrcp.f32 v0  }
0x74: {  	v0 =	vpop (erf);
	(erf) = vrcp.f32 v12  }
0x75: {  	(erf) = vpow2.f32 v10;
	v10 =	vpop (erf)  }
0x76: {  	v12 =	vpop (erf);
	(erf) = vrcp.f32 v16  }
0x77: {  	(erf) = vrcp.f32 v11;
	v11 =	vpop (erf)  }
0x78: {  	(erf) = vpow2.f32 v7;
	v7 =	vpop (erf)  }
0x79: {  	v16 =	vpop (erf);
	(erf) = vpow2.f32 v3  }
0x7a: {  	(erf) = vpow2.f32 v9;
	v3 =	vpop (erf)  }
0x7b: {  	(erf) = vpow2.f32 v4;
	v4 =	vpop (erf)  }
0x7c: {  	(erf) = vpow2.f32 v5;
	v5 =	vpop (erf)  }
0x7d: {  	(erf) = vpow2.f32 v1;
	v1 =	vpop (erf)  }
0x7e: {  	v9 =	vpop (erf)  }
0x7f: {  	v20 =	vpop (erf)  }
0x80: {  	[tilespmem:s28+$0x0] =	vst v8;
	v8 =	vpop (erf)  }
0x81: {  	v19 =	vadd.f32 $1.000000000e+00, v19;
	[tilespmem:s28+$0x40] =	vst v6;
	v6 =	vpop (erf)  }
0x82: {  	v14 =	vadd.f32 $1.000000000e+00, v14;
	[tilespmem:s28+$0xFFFFFFE0] =	vst v10;
	v10 =	vpop (erf)  }
0x83: {  	v0 =	vadd.f32 $1.000000000e+00, v0;
	[tilespmem:s28+$0xFFFFFFB0] =	vst v12;
	(erf) = vrcp.f32 v19;
	v12 =	vpop (erf)  }
0x84: {  	v17 =	vadd.f32 $1.000000000e+00, v17;
	[tilespmem:s28+$0xFFFFFFD0] =	vst v11;
	(erf) = vrcp.f32 v14;
	v11 =	vpop (erf)  }
0x85: {  	[tilespmem:s28+$0xFFFFFFF0] =	vst v7;
	(erf) = vrcp.f32 v0;
	v0 =	vadd.f32 $1.000000000e+00, v2;
	v2 =	vpop (erf)  }
0x86: {  	[tilespmem:s29+$0xFFFFFFA0] =	vst v16;
	(erf) = vrcp.f32 v17;
	v11 =	vadd.f32 $1.000000000e+00, v11;
	v7 =	vpop (erf)  }
0x87: {  	[tilespmem:s28+$0x20] =	vst v3;
	(erf) = vrcp.f32 v0;
	v3 =	vadd.f32 $1.000000000e+00, v7  }
0x88: {  	[tilespmem:s28+$0xFFFFFF90] =	vst v4;
	v0 =	vadd.f32 $1.000000000e+00, v10;
	(erf) = vrcp.f32 v11  }
0x89: {  	[tilespmem:s28+$0xFFFFFF80] =	vst v5;
	v4 =	vadd.f32 $1.000000000e+00, v9;
	(erf) = vrcp.f32 v3  }
0x8a: {  	[tilespmem:s28+$0x10] =	vst v1;
	v1 =	vadd.f32 $1.000000000e+00, v6;
	(erf) = vrcp.f32 v0;
	v0 =	vadd.f32 $1.000000000e+00, v15  }
0x8b: {  	[tilespmem:s28+$0x60] =	vst v20;
	(erf) = vrcp.f32 v4  }
0x8c: {  	[tilespmem:s28+$0xFFFFFFC0] =	vst v8;
	v3 =	vpop (erf);
	v4 =	vadd.f32 $1.000000000e+00, v13;
	(erf) = vrcp.f32 v1  }
0x8d: {  	v1 =	vadd.f32 $1.000000000e+00, v12;
	[tilespmem:s29+$0x70] =	vst v3;
	v3 =	vpop (erf);
	(erf) = vrcp.f32 v0  }
0x8e: {  	[tilespmem:s29+$0x50] =	vst v3;
	v3 =	vadd.f32 $1.000000000e+00, v18;
	v0 =	vpop (erf);
	(erf) = vrcp.f32 v4  }
0x8f: {  	v2 =	vadd.f32 $1.000000000e+00, v2;
	[tilespmem:s29+$0x30] =	vst v0;
	v0 =	vpop (erf);
	(erf) = vrcp.f32 v1  }
0x90: {  	[tilespmem:s29+$0x0] =	vst v0;
	v0 =	vpop (erf);
	(erf) = vrcp.f32 v3  }
0x91: {  	[tilespmem:s29+$0x40] =	vst v0;
	v0 =	vpop (erf);
	(erf) = vrcp.f32 v2  }
0x92: {  	[tilespmem:s29+$0xFFFFFFE0] =	vst v0;
	v0 =	vpop (erf)  }
0x93: {  	[tilespmem:s29+$0xFFFFFFB0] =	vst v0;
	v0 =	vpop (erf)  }
0x94: {  	[tilespmem:s29+$0xFFFFFFD0] =	vst v0;
	v0 =	vpop (erf)  }
0x95: {  	[tilespmem:s29+$0xFFFFFFF0] =	vst v0;
	v0 =	vpop (erf)  }
0x96: {  	[tilespmem:s29+$0x20] =	vst v0;
	v0 =	vpop (erf)  }
0x97: {  	[tilespmem:s29+$0xFFFFFF90] =	vst v0;
	v0 =	vpop (erf)  }
0x98: {  	[tilespmem:s29+$0xFFFFFF80] =	vst v0;
	v0 =	vpop (erf)  }
0x99: {  	[tilespmem:s29+$0x10] =	vst v0;
	v0 =	vpop (erf)  }
0x9a: {  	[tilespmem:s29+$0x60] =	vst v0;
	v0 =	vpop (erf)  }
0x9b: {  	[tilespmem:s29+$0xFFFFFFC0] =	vst v0  }
0x9c: {  	[hbm4b:s5+s3] =	stream.linear.scatter [tilespmem:s12], [sflag:$0x5], $0x4000, $0x38;
	[tilespmem:$0x10200] =	vst v63  }
0x9d: {  	_ =	swait.ge [sflag:s19], $0x4000  }
0x9e: {  	[sflag:s19] =	ssyncset.done $0x0  }
0x9f: {  	s28 =	simm.s32 $0x4280;
	[sflag:s19] =	ssyncadd.s32 $0xFFFFC000  }
0xa0: {  	v0 =	vld [tilespmem:s28+$0x40]  }
0xa1: {  	v1 =	vld [tilespmem:s28+$0xFFFFFFA0]  }
0xa2: {  	v2 =	vld [tilespmem:s28+$0xFFFFFF80]  }
0xa3: {  	v3 =	vld [tilespmem:s28+$0x60]  }
0xa4: {  	v4 =	vld [tilespmem:s28+$0x0]  }
0xa5: {  	v5 =	vld [tilespmem:s28+$0xFFFFFF90];
	v0 =	vsub.f32 $0.0e+00, v0  }
0xa6: {  	v6 =	vld [tilespmem:s28+$0x70];
	v1 =	vsub.f32 $0.0e+00, v1  }
0xa7: {  	v7 =	vld [tilespmem:s28+$0x50];
	v2 =	vsub.f32 $0.0e+00, v2;
	v0 =	vmul.f32 $1.442695020e+00, v0  }
0xa8: {  	s29 =	simm.s32 $0x4380;
	v8 =	vld [tilespmem:s28+$0xFFFFFFF0];
	v3 =	vsub.f32 $0.0e+00, v3;
	v1 =	vmul.f32 $1.442695020e+00, v1  }
0xa9: {  	v10 =	vld [tilespmem:s29+$0xFFFFFFA0];
	v4 =	vsub.f32 $0.0e+00, v4;
	v2 =	vmul.f32 $1.442695020e+00, v2;
	(erf) = vpow2.f32 v0  }
0xaa: {  	v14 =	vld [tilespmem:s29+$0x70];
	v5 =	vsub.f32 $0.0e+00, v5;
	v3 =	vmul.f32 $1.442695020e+00, v3;
	(erf) = vpow2.f32 v1  }
0xab: {  	v12 =	vld [tilespmem:s29+$0xFFFFFF80];
	v4 =	vmul.f32 $1.442695020e+00, v4;
	(erf) = vpow2.f32 v2  }
0xac: {  	v18 =	vld [tilespmem:s29+$0x40];
	v5 =	vmul.f32 $1.442695020e+00, v5;
	(erf) = vpow2.f32 v3  }
0xad: {  	v8 =	vsub.f32 $0.0e+00, v8;
	v0 =	vld [tilespmem:s28+$0x30];
	(erf) = vpow2.f32 v4  }
0xae: {  	v19 =	vld [tilespmem:s29+$0x30];
	v1 =	vsub.f32 $0.0e+00, v6;
	(erf) = vpow2.f32 v5;
	v5 =	vsub.f32 $0.0e+00, v7  }
0xaf: {  	v10 =	vsub.f32 $0.0e+00, v10;
	v14 =	vsub.f32 $0.0e+00, v14;
	v6 =	vld [tilespmem:s28+$0x10]  }
0xb0: {  	v12 =	vsub.f32 $0.0e+00, v12;
	v1 =	vmul.f32 $1.442695020e+00, v1;
	v7 =	vld [tilespmem:s28+$0x20];
	v5 =	vmul.f32 $1.442695020e+00, v5  }
0xb1: {  	v8 =	vmul.f32 $1.442695020e+00, v8;
	v21 =	vmul.f32 $1.442695020e+00, v14;
	v14 =	vsub.f32 $0.0e+00, v18;
	v2 =	vld [tilespmem:s28+$0xFFFFFFD0]  }
0xb2: {  	v10 =	vmul.f32 $1.442695020e+00, v10;
	v0 =	vsub.f32 $0.0e+00, v0;
	(erf) = vpow2.f32 v1  }
0xb3: {  	v12 =	vmul.f32 $1.442695020e+00, v12;
	v18 =	vsub.f32 $0.0e+00, v19;
	v14 =	vmul.f32 $1.442695020e+00, v14;
	v4 =	vld [tilespmem:s28+$0xFFFFFFE0];
	v9 =	vpop (erf)  }
0xb4: {  	v1 =	vld [tilespmem:s28+$0xFFFFFFC0];
	v6 =	vsub.f32 $0.0e+00, v6;
	v11 =	vmul.f32 $1.442695020e+00, v0;
	(erf) = vpow2.f32 v5;
	v5 =	vpop (erf)  }
0xb5: {  	v23 =	vmul.f32 $1.442695020e+00, v18;
	v3 =	vld [tilespmem:s28+$0xFFFFFFB0];
	v7 =	vsub.f32 $0.0e+00, v7;
	v5 =	vadd.f32 $1.000000000e+00, v5  }
0xb6: {  	v20 =	vld [tilespmem:s29+$0x10];
	v2 =	vsub.f32 $0.0e+00, v2;
	v6 =	vmul.f32 $1.442695020e+00, v6;
	(erf) = vpow2.f32 v11;
	v0 =	vpop (erf)  }
0xb7: {  	v11 =	vld [tilespmem:s29+$0x60];
	v7 =	vmul.f32 $1.442695020e+00, v7;
	v13 =	vpop (erf);
	(erf) = vrcp.f32 v5  }
0xb8: {  	v4 =	vsub.f32 $0.0e+00, v4;
	v2 =	vmul.f32 $1.442695020e+00, v2;
	v15 =	vpop (erf);
	v5 =	vld [tilespmem:s29+$0x50];
	(erf) = vpow2.f32 v8  }
0xb9: {  	v1 =	vsub.f32 $0.0e+00, v1;
	v8 =	vadd.f32 $1.000000000e+00, v15;
	v15 =	vld [tilespmem:s29+$0x0];
	(erf) = vpow2.f32 v7  }
0xba: {  	v3 =	vsub.f32 $0.0e+00, v3;
	v4 =	vmul.f32 $1.442695020e+00, v4;
	v16 =	vpop (erf);
	(erf) = vpow2.f32 v2;
	v2 =	vld [tilespmem:s29+$0xFFFFFFD0]  }
0xbb: {  	v20 =	vsub.f32 $0.0e+00, v20;
	v1 =	vmul.f32 $1.442695020e+00, v1;
	v17 =	vpop (erf);
	(erf) = vpow2.f32 v6  }
0xbc: {  	v3 =	vmul.f32 $1.442695020e+00, v3;
	v17 =	vadd.f32 $1.000000000e+00, v17;
	v6 =	vld [tilespmem:s29+$0xFFFFFF90];
	(erf) = vpow2.f32 v4  }
0xbd: {  	v11 =	vsub.f32 $0.0e+00, v11;
	v7 =	vpop (erf);
	v5 =	vsub.f32 $0.0e+00, v5;
	v4 =	vld [tilespmem:s29+$0xFFFFFFB0];
	(erf) = vpow2.f32 v1  }
0xbe: {  	v19 =	vld [tilespmem:s29+$0xFFFFFFC0];
	v7 =	vadd.f32 $1.000000000e+00, v7;
	v15 =	vsub.f32 $0.0e+00, v15;
	(erf) = vpow2.f32 v3  }
0xbf: {  	v1 =	vpop (erf);
	v22 =	vmul.f32 $1.442695020e+00, v5;
	v5 =	vld [tilespmem:s29+$0xFFFFFFE0];
	(erf) = vrcp.f32 v17;
	v2 =	vsub.f32 $0.0e+00, v2  }
0xc0: {  	v18 =	vld [tilespmem:s29+$0x20];
	v11 =	vmul.f32 $1.442695020e+00, v11;
	v1 =	vadd.f32 $1.000000000e+00, v1;
	v17 =	vpop (erf);
	(erf) = vrcp.f32 v7  }
0xc1: {  	v15 =	vmul.f32 $1.442695020e+00, v15;
	v7 =	vsub.f32 $0.0e+00, v6;
	v24 =	vpop (erf);
	(erf) = vpow2.f32 v14  }
0xc2: {  	v6 =	vadd.f32 $1.000000000e+00, v16;
	v4 =	vsub.f32 $0.0e+00, v4;
	v16 =	vpop (erf);
	(erf) = vrcp.f32 v1  }
0xc3: {  	v19 =	vsub.f32 $0.0e+00, v19;
	v14 =	vld [tilespmem:s29+$0xFFFFFFF0];
	v3 =	vmul.f32 $1.442695020e+00, v2;
	(erf) = vpow2.f32 v10;
	v2 =	vpop (erf)  }
0xc4: {  	v1 =	vmul.f32 $1.442695020e+00, v4;
	v4 =	vsub.f32 $0.0e+00, v5;
	(erf) = vpow2.f32 v12;
	v12 =	vpop (erf)  }
0xc5: {  	v10 =	vmul.f32 $1.442695020e+00, v7;
	v5 =	vsub.f32 $0.0e+00, v18;
	v25 =	vpop (erf);
	(erf) = vrcp.f32 v8  }
0xc6: {  	v4 =	vmul.f32 $1.442695020e+00, v4;
	v8 =	vadd.f32 $1.000000000e+00, v9;
	(erf) = vpow2.f32 v11;
	v9 =	vpop (erf)  }
0xc7: {  	[tilespmem:s28+$0xFFFFFFA0] =	vst v17;
	v17 =	vadd.f32 $1.000000000e+00, v2;
	v7 =	vmul.f32 $1.442695020e+00, v5;
	(erf) = vpow2.f32 v15;
	v18 =	vpop (erf)  }
0xc8: {  	v5 =	vmul.f32 $1.442695020e+00, v19;
	v11 =	vsub.f32 $0.0e+00, v14;
	(erf) = vpow2.f32 v10;
	v19 =	vpop (erf)  }
0xc9: {  	v12 =	vadd.f32 $1.000000000e+00, v12;
	v14 =	vadd.f32 $1.000000000e+00, v16;
	(erf) = vpow2.f32 v21;
	v16 =	vpop (erf)  }
0xca: {  	v15 =	vadd.f32 $1.000000000e+00, v24;
	v10 =	vmul.f32 $1.442695020e+00, v11;
	v2 =	vpop (erf);
	(erf) = vrcp.f32 v8  }
0xcb: {  	v18 =	vadd.f32 $1.000000000e+00, v18;
	[tilespmem:s28+$0x70] =	vst v19;
	v8 =	vadd.f32 $1.000000000e+00, v25;
	(erf) = vpow2.f32 v22;
	v19 =	vpop (erf)  }
0xcc: {  	v11 =	vadd.f32 $1.000000000e+00, v9;
	v9 =	vmul.f32 $1.442695020e+00, v20;
	[tilespmem:s28+$0x50] =	vst v16;
	v20 =	vpop (erf);
	(erf) = vpow2.f32 v23  }
0xcd: {  	s30 =	simm.s32 $0x2;
	s31 =	simm.s32 $0x4480;
	v16 =	vadd.f32 $1.000000000e+00, v13;
	[tilespmem:s28+$0x30] =	vst v19;
	v19 =	vadd.f32 $1.000000000e+00, v20;
	v13 =	vpop (erf);
	(erf) = vrcp.f32 v8  }
.LBB2_4:
0xce: {  	v20 =	vld [tilespmem:s31+$0xFFFFFFA0];
	s30 =	sadd.s32 $0x2, s30;
	(erf) = vrcp.f32 v18;
	v18 =	vpop (erf)  }
0xcf: {  	v21 =	vld [tilespmem:s31+$0xFFFFFF80];
	p0 =	slt.u32 s30, $0x7E;
	v8 =	vpop (erf);
	[tilespmem:s28+$0x0] =	vst v18;
	(erf) = vrcp.f32 v17  }
0xd0: {  	v17 =	vld [tilespmem:s31+$0x70];
	v18 =	vpop (erf);
	(erf) = vrcp.f32 v15  }
0xd1: {  	v15 =	vld [tilespmem:s31+$0x60];
	v22 =	vpop (erf);
	(erf) = vrcp.f32 v19  }
0xd2: {  	v26 =	vadd.f32 $1.000000000e+00, v0;
	v0 =	vmov v13;
	v19 =	vld [tilespmem:s31+$0x50];
	v23 =	vpop (erf);
	(erf) = vrcp.f32 v14  }
0xd3: {  	v13 =	vsub.f32 $0.0e+00, v20;
	v14 =	vld [tilespmem:s31+$0x40];
	v20 =	vadd.f32 $1.000000000e+00, v23;
	(erf) = vrcp.f32 v6;
	v6 =	vpop (erf)  }
0xd4: {  	v18 =	vadd.f32 $1.000000000e+00, v18;
	v21 =	vsub.f32 $0.0e+00, v21;
	v23 =	vld [tilespmem:s31+$0x30];
	v25 =	vpop (erf);
	[tilespmem:s28+$0x40] =	vst v6;
	(erf) = vrcp.f32 v26  }
0xd5: {  	v13 =	vmul.f32 $1.442695020e+00, v13;
	v6 =	vld [tilespmem:s31+$0x0];
	v17 =	vsub.f32 $0.0e+00, v17;
	v24 =	vpop (erf);
	(erf) = vrcp.f32 v12  }
0xd6: {  	v12 =	vmul.f32 $1.442695020e+00, v21;
	v21 =	vld [tilespmem:s31+$0x10];
	v15 =	vsub.f32 $0.0e+00, v15;
	(erf) = vpow2.f32 v10;
	v10 =	vpop (erf)  }
0xd7: {  	v26 =	vld [tilespmem:s31+$0xFFFFFFD0];
	v27 =	vmul.f32 $1.442695020e+00, v17;
	v17 =	vadd.f32 $1.000000000e+00, v25;
	[tilespmem:s28+$0xFFFFFFE0] =	vst v10;
	v10 =	vpop (erf);
	(erf) = vrcp.f32 v16  }
0xd8: {  	v16 =	vld [tilespmem:s31+$0xFFFFFF90];
	v14 =	vsub.f32 $0.0e+00, v14;
	v25 =	vmul.f32 $1.442695020e+00, v15;
	[tilespmem:s28+$0xFFFFFFB0] =	vst v10;
	(erf) = vrcp.f32 v11;
	v10 =	vpop (erf)  }
0xd9: {  	v15 =	vsub.f32 $0.0e+00, v19;
	v19 =	vadd.f32 $1.000000000e+00, v24;
	v11 =	vld [tilespmem:s31+$0xFFFFFFB0];
	(erf) = vpow2.f32 v7;
	[tilespmem:s28+$0xFFFFFFD0] =	vst v10;
	v7 =	vpop (erf)  }
0xda: {  	v23 =	vsub.f32 $0.0e+00, v23;
	v10 =	vld [tilespmem:s31+$0xFFFFFFC0];
	v14 =	vmul.f32 $1.442695020e+00, v14;
	v24 =	vpop (erf);
	(erf) = vpow2.f32 v3;
	[tilespmem:s28+$0xFFFFFFF0] =	vst v7  }
0xdb: {  	v29 =	vsub.f32 $0.0e+00, v6;
	v28 =	vmul.f32 $1.442695020e+00, v15;
	[tilespmem:s29+$0xFFFFFFA0] =	vst v24;
	(erf) = vpow2.f32 v9;
	v6 =	vpop (erf)  }
0xdc: {  	v23 =	vmul.f32 $1.442695020e+00, v23;
	v7 =	vsub.f32 $0.0e+00, v26;
	v9 =	vld [tilespmem:s31+$0xFFFFFFE0];
	(erf) = vpow2.f32 v4;
	[tilespmem:s28+$0x20] =	vst v6;
	v4 =	vpop (erf)  }
0xdd: {  	v21 =	vsub.f32 $0.0e+00, v21;
	v24 =	vmul.f32 $1.442695020e+00, v29;
	v15 =	vld [tilespmem:s31+$0x20];
	(erf) = vpow2.f32 v5;
	[tilespmem:s28+$0xFFFFFF90] =	vst v4;
	v3 =	vpop (erf)  }
0xde: {  	v6 =	vadd.f32 $1.000000000e+00, v22;
	v4 =	vsub.f32 $0.0e+00, v16;
	(erf) = vpow2.f32 v1;
	[tilespmem:s28+$0xFFFFFF80] =	vst v3;
	v1 =	vpop (erf)  }
0xdf: {  	v5 =	vsub.f32 $0.0e+00, v11;
	v10 =	vsub.f32 $0.0e+00, v10;
	v11 =	vld [tilespmem:s31+$0xFFFFFFF0];
	v16 =	vpop (erf);
	(erf) = vrcp.f32 v20;
	[tilespmem:s28+$0x10] =	vst v1  }
0xe0: {  	v3 =	vmul.f32 $1.442695020e+00, v7;
	(erf) = vrcp.f32 v17;
	v7 =	vpop (erf)  }
0xe1: {  	v1 =	vmul.f32 $1.442695020e+00, v5;
	v5 =	vsub.f32 $0.0e+00, v9;
	(erf) = vpow2.f32 v14;
	[tilespmem:s28+$0x60] =	vst v7;
	v7 =	vpop (erf)  }
0xe2: {  	v9 =	vmul.f32 $1.442695020e+00, v4;
	v14 =	vsub.f32 $0.0e+00, v15;
	v17 =	vpop (erf);
	(erf) = vrcp.f32 v19;
	[tilespmem:s28+$0xFFFFFFC0] =	vst v7;
	s28 =	smov.u32 s29;
	s29 =	smov.u32 s31  }
0xe3: {  	v4 =	vmul.f32 $1.442695020e+00, v5;
	(erf) = vpow2.f32 v13;
	v13 =	vadd.f32 $1.000000000e+00, v2;
	v2 =	vpop (erf)  }
0xe4: {  	v19 =	vsub.f32 $0.0e+00, v11;
	v7 =	vmul.f32 $1.442695020e+00, v14;
	(erf) = vpow2.f32 v12;
	v12 =	vpop (erf)  }
0xe5: {  	v15 =	vadd.f32 $1.000000000e+00, v16;
	v5 =	vmul.f32 $1.442695020e+00, v10;
	v16 =	vpop (erf);
	(erf) = vrcp.f32 v18  }
0xe6: {  	v14 =	vadd.f32 $1.000000000e+00, v17;
	v10 =	vmul.f32 $1.442695020e+00, v19;
	(erf) = vpow2.f32 v25;
	v11 =	vpop (erf)  }
0xe7: {  	v17 =	vadd.f32 $1.000000000e+00, v2;
	v12 =	vadd.f32 $1.000000000e+00, v12;
	(erf) = vpow2.f32 v24;
	v2 =	vpop (erf)  }
0xe8: {  	v11 =	vadd.f32 $1.000000000e+00, v11;
	(erf) = vpow2.f32 v9;
	v18 =	vadd.f32 $1.000000000e+00, v2;
	v2 =	vpop (erf)  }
.Ltmp1:
0xe9: {  	v20 =	vadd.f32 $1.000000000e+00, v16;
	(erf) = vpow2.f32 v27;
	[tilespmem:s28+$0x70] =	vst v2;
	v9 =	vpop (erf);
	(pc) =	sbr.rel @p0 .LBB2_4-.Ltmp1, $4  }
0xea: {  	v2 =	vpop (erf);
	[tilespmem:s28+$0x50] =	vst v9;
	(erf) = vrcp.f32 v13  }
0xeb: {  	(erf) = vpow2.f32 v28;
	v13 =	vpop (erf)  }
0xec: {  	v16 =	vadd.f32 $1.000000000e+00, v8;
	v9 =	vmul.f32 $1.442695020e+00, v21;
	v19 =	vpop (erf);
	(erf) = vpow2.f32 v23;
	[tilespmem:s28+$0x30] =	vst v13  }
0xed: {  	s31 =	sadd.s32 $0x100, s31;
	v19 =	vadd.f32 $1.000000000e+00, v19;
	v13 =	vpop (erf);
	(erf) = vrcp.f32 v20  }
0xee: {  	(erf) = vrcp.f32 v18;
	v8 =	vpop (erf)  }
0xef: {  	v18 =	vpop (erf);
	(erf) = vrcp.f32 v17  }
0xf0: {  	v17 =	vpop (erf);
	(erf) = vrcp.f32 v15  }
0xf1: {  	v0 =	vadd.f32 $1.000000000e+00, v0;
	v15 =	vpop (erf);
	(erf) = vrcp.f32 v19  }
0xf2: {  	v19 =	vpop (erf);
	(erf) = vrcp.f32 v14  }
0xf3: {  	(erf) = vrcp.f32 v6;
	v6 =	vpop (erf)  }
0xf4: {  	v14 =	vpop (erf);
	(erf) = vrcp.f32 v0  }
0xf5: {  	v0 =	vpop (erf);
	(erf) = vrcp.f32 v12  }
0xf6: {  	(erf) = vpow2.f32 v10;
	v10 =	vpop (erf)  }
0xf7: {  	v12 =	vpop (erf);
	(erf) = vrcp.f32 v16  }
0xf8: {  	(erf) = vrcp.f32 v11;
	v11 =	vpop (erf)  }
0xf9: {  	(erf) = vpow2.f32 v7;
	v7 =	vpop (erf)  }
0xfa: {  	v16 =	vpop (erf);
	(erf) = vpow2.f32 v3  }
0xfb: {  	(erf) = vpow2.f32 v9;
	v3 =	vpop (erf)  }
0xfc: {  	(erf) = vpow2.f32 v4;
	v4 =	vpop (erf)  }
0xfd: {  	(erf) = vpow2.f32 v5;
	v5 =	vpop (erf)  }
0xfe: {  	(erf) = vpow2.f32 v1;
	v1 =	vpop (erf)  }
0xff: {  	v9 =	vpop (erf)  }
0x100: {  	v20 =	vpop (erf)  }
0x101: {  	[tilespmem:s28+$0x0] =	vst v8;
	v8 =	vpop (erf)  }
0x102: {  	v19 =	vadd.f32 $1.000000000e+00, v19;
	[tilespmem:s28+$0x40] =	vst v6;
	v6 =	vpop (erf)  }
0x103: {  	v14 =	vadd.f32 $1.000000000e+00, v14;
	[tilespmem:s28+$0xFFFFFFE0] =	vst v10;
	v10 =	vpop (erf)  }
0x104: {  	v0 =	vadd.f32 $1.000000000e+00, v0;
	[tilespmem:s28+$0xFFFFFFB0] =	vst v12;
	(erf) = vrcp.f32 v19;
	v12 =	vpop (erf)  }
0x105: {  	v17 =	vadd.f32 $1.000000000e+00, v17;
	[tilespmem:s28+$0xFFFFFFD0] =	vst v11;
	(erf) = vrcp.f32 v14;
	v11 =	vpop (erf)  }
0x106: {  	[tilespmem:s28+$0xFFFFFFF0] =	vst v7;
	(erf) = vrcp.f32 v0;
	v0 =	vadd.f32 $1.000000000e+00, v2;
	v2 =	vpop (erf)  }
0x107: {  	[tilespmem:s29+$0xFFFFFFA0] =	vst v16;
	(erf) = vrcp.f32 v17;
	v11 =	vadd.f32 $1.000000000e+00, v11;
	v7 =	vpop (erf)  }
0x108: {  	[tilespmem:s28+$0x20] =	vst v3;
	(erf) = vrcp.f32 v0;
	v3 =	vadd.f32 $1.000000000e+00, v7  }
0x109: {  	[tilespmem:s28+$0xFFFFFF90] =	vst v4;
	v0 =	vadd.f32 $1.000000000e+00, v10;
	(erf) = vrcp.f32 v11  }
0x10a: {  	[tilespmem:s28+$0xFFFFFF80] =	vst v5;
	v4 =	vadd.f32 $1.000000000e+00, v9;
	(erf) = vrcp.f32 v3  }
0x10b: {  	[tilespmem:s28+$0x10] =	vst v1;
	v1 =	vadd.f32 $1.000000000e+00, v6;
	(erf) = vrcp.f32 v0;
	v0 =	vadd.f32 $1.000000000e+00, v15  }
0x10c: {  	[tilespmem:s28+$0x60] =	vst v20;
	(erf) = vrcp.f32 v4  }
0x10d: {  	[tilespmem:s28+$0xFFFFFFC0] =	vst v8;
	v3 =	vpop (erf);
	v4 =	vadd.f32 $1.000000000e+00, v13;
	(erf) = vrcp.f32 v1  }
0x10e: {  	v1 =	vadd.f32 $1.000000000e+00, v12;
	[tilespmem:s29+$0x70] =	vst v3;
	v3 =	vpop (erf);
	(erf) = vrcp.f32 v0  }
0x10f: {  	[tilespmem:s29+$0x50] =	vst v3;
	v3 =	vadd.f32 $1.000000000e+00, v18;
	v0 =	vpop (erf);
	(erf) = vrcp.f32 v4  }
0x110: {  	v2 =	vadd.f32 $1.000000000e+00, v2;
	[tilespmem:s29+$0x30] =	vst v0;
	v0 =	vpop (erf);
	(erf) = vrcp.f32 v1  }
0x111: {  	[tilespmem:s29+$0x0] =	vst v0;
	v0 =	vpop (erf);
	(erf) = vrcp.f32 v3  }
0x112: {  	[tilespmem:s29+$0x40] =	vst v0;
	v0 =	vpop (erf);
	(erf) = vrcp.f32 v2  }
0x113: {  	[tilespmem:s29+$0xFFFFFFE0] =	vst v0;
	v0 =	vpop (erf)  }
0x114: {  	[tilespmem:s29+$0xFFFFFFB0] =	vst v0;
	v0 =	vpop (erf)  }
0x115: {  	[tilespmem:s29+$0xFFFFFFD0] =	vst v0;
	v0 =	vpop (erf)  }
0x116: {  	[tilespmem:s29+$0xFFFFFFF0] =	vst v0;
	v0 =	vpop (erf)  }
0x117: {  	[tilespmem:s29+$0x20] =	vst v0;
	v0 =	vpop (erf)  }
0x118: {  	[tilespmem:s29+$0xFFFFFF90] =	vst v0;
	v0 =	vpop (erf)  }
0x119: {  	[tilespmem:s29+$0xFFFFFF80] =	vst v0;
	v0 =	vpop (erf)  }
0x11a: {  	[tilespmem:s29+$0x10] =	vst v0;
	v0 =	vpop (erf)  }
0x11b: {  	[tilespmem:s29+$0x60] =	vst v0;
	v0 =	vpop (erf)  }
0x11c: {  	[tilespmem:s29+$0xFFFFFFC0] =	vst v0  }
0x11d: {  	[hbm4b:s6+s3] =	stream.linear.scatter [tilespmem:s13], [sflag:$0x6], $0x4000, $0x38;
	[tilespmem:$0x10200] =	vst v63  }
0x11e: {  	_ =	swait.ge [sflag:s20], $0x4000  }
0x11f: {  	[sflag:s20] =	ssyncset.done $0x0  }
0x120: {  	s28 =	simm.s32 $0x8280;
	[sflag:s20] =	ssyncadd.s32 $0xFFFFC000  }
0x121: {  	v0 =	vld [tilespmem:s28+$0x40]  }
0x122: {  	v1 =	vld [tilespmem:s28+$0xFFFFFFA0]  }
0x123: {  	v2 =	vld [tilespmem:s28+$0xFFFFFF80]  }
0x124: {  	v3 =	vld [tilespmem:s28+$0x60]  }
0x125: {  	v4 =	vld [tilespmem:s28+$0x0]  }
0x126: {  	v5 =	vld [tilespmem:s28+$0xFFFFFF90];
	v0 =	vsub.f32 $0.0e+00, v0  }
0x127: {  	v6 =	vld [tilespmem:s28+$0x70];
	v1 =	vsub.f32 $0.0e+00, v1  }
0x128: {  	v7 =	vld [tilespmem:s28+$0x50];
	v2 =	vsub.f32 $0.0e+00, v2;
	v0 =	vmul.f32 $1.442695020e+00, v0  }
0x129: {  	s29 =	simm.s32 $0x8380;
	v8 =	vld [tilespmem:s28+$0xFFFFFFF0];
	v3 =	vsub.f32 $0.0e+00, v3;
	v1 =	vmul.f32 $1.442695020e+00, v1  }
0x12a: {  	v10 =	vld [tilespmem:s29+$0xFFFFFFA0];
	v4 =	vsub.f32 $0.0e+00, v4;
	v2 =	vmul.f32 $1.442695020e+00, v2;
	(erf) = vpow2.f32 v0  }
0x12b: {  	v14 =	vld [tilespmem:s29+$0x70];
	v5 =	vsub.f32 $0.0e+00, v5;
	v3 =	vmul.f32 $1.442695020e+00, v3;
	(erf) = vpow2.f32 v1  }
0x12c: {  	v12 =	vld [tilespmem:s29+$0xFFFFFF80];
	v4 =	vmul.f32 $1.442695020e+00, v4;
	(erf) = vpow2.f32 v2  }
0x12d: {  	v18 =	vld [tilespmem:s29+$0x40];
	v5 =	vmul.f32 $1.442695020e+00, v5;
	(erf) = vpow2.f32 v3  }
0x12e: {  	v8 =	vsub.f32 $0.0e+00, v8;
	v0 =	vld [tilespmem:s28+$0x30];
	(erf) = vpow2.f32 v4  }
0x12f: {  	v19 =	vld [tilespmem:s29+$0x30];
	v1 =	vsub.f32 $0.0e+00, v6;
	(erf) = vpow2.f32 v5;
	v5 =	vsub.f32 $0.0e+00, v7  }
0x130: {  	v10 =	vsub.f32 $0.0e+00, v10;
	v14 =	vsub.f32 $0.0e+00, v14;
	v6 =	vld [tilespmem:s28+$0x10]  }
0x131: {  	v12 =	vsub.f32 $0.0e+00, v12;
	v1 =	vmul.f32 $1.442695020e+00, v1;
	v7 =	vld [tilespmem:s28+$0x20];
	v5 =	vmul.f32 $1.442695020e+00, v5  }
0x132: {  	v8 =	vmul.f32 $1.442695020e+00, v8;
	v21 =	vmul.f32 $1.442695020e+00, v14;
	v14 =	vsub.f32 $0.0e+00, v18;
	v2 =	vld [tilespmem:s28+$0xFFFFFFD0]  }
0x133: {  	v10 =	vmul.f32 $1.442695020e+00, v10;
	v0 =	vsub.f32 $0.0e+00, v0;
	(erf) = vpow2.f32 v1  }
0x134: {  	v12 =	vmul.f32 $1.442695020e+00, v12;
	v18 =	vsub.f32 $0.0e+00, v19;
	v14 =	vmul.f32 $1.442695020e+00, v14;
	v4 =	vld [tilespmem:s28+$0xFFFFFFE0];
	v9 =	vpop (erf)  }
0x135: {  	v1 =	vld [tilespmem:s28+$0xFFFFFFC0];
	v6 =	vsub.f32 $0.0e+00, v6;
	v11 =	vmul.f32 $1.442695020e+00, v0;
	(erf) = vpow2.f32 v5;
	v5 =	vpop (erf)  }
0x136: {  	v23 =	vmul.f32 $1.442695020e+00, v18;
	v3 =	vld [tilespmem:s28+$0xFFFFFFB0];
	v7 =	vsub.f32 $0.0e+00, v7;
	v5 =	vadd.f32 $1.000000000e+00, v5  }
0x137: {  	v20 =	vld [tilespmem:s29+$0x10];
	v2 =	vsub.f32 $0.0e+00, v2;
	v6 =	vmul.f32 $1.442695020e+00, v6;
	(erf) = vpow2.f32 v11;
	v0 =	vpop (erf)  }
0x138: {  	v11 =	vld [tilespmem:s29+$0x60];
	v7 =	vmul.f32 $1.442695020e+00, v7;
	v13 =	vpop (erf);
	(erf) = vrcp.f32 v5  }
0x139: {  	v4 =	vsub.f32 $0.0e+00, v4;
	v2 =	vmul.f32 $1.442695020e+00, v2;
	v15 =	vpop (erf);
	v5 =	vld [tilespmem:s29+$0x50];
	(erf) = vpow2.f32 v8  }
0x13a: {  	v1 =	vsub.f32 $0.0e+00, v1;
	v8 =	vadd.f32 $1.000000000e+00, v15;
	v15 =	vld [tilespmem:s29+$0x0];
	(erf) = vpow2.f32 v7  }
0x13b: {  	v3 =	vsub.f32 $0.0e+00, v3;
	v4 =	vmul.f32 $1.442695020e+00, v4;
	v16 =	vpop (erf);
	(erf) = vpow2.f32 v2;
	v2 =	vld [tilespmem:s29+$0xFFFFFFD0]  }
0x13c: {  	v20 =	vsub.f32 $0.0e+00, v20;
	v1 =	vmul.f32 $1.442695020e+00, v1;
	v17 =	vpop (erf);
	(erf) = vpow2.f32 v6  }
0x13d: {  	v3 =	vmul.f32 $1.442695020e+00, v3;
	v17 =	vadd.f32 $1.000000000e+00, v17;
	v6 =	vld [tilespmem:s29+$0xFFFFFF90];
	(erf) = vpow2.f32 v4  }
0x13e: {  	v11 =	vsub.f32 $0.0e+00, v11;
	v7 =	vpop (erf);
	v5 =	vsub.f32 $0.0e+00, v5;
	v4 =	vld [tilespmem:s29+$0xFFFFFFB0];
	(erf) = vpow2.f32 v1  }
0x13f: {  	v19 =	vld [tilespmem:s29+$0xFFFFFFC0];
	v7 =	vadd.f32 $1.000000000e+00, v7;
	v15 =	vsub.f32 $0.0e+00, v15;
	(erf) = vpow2.f32 v3  }
0x140: {  	v1 =	vpop (erf);
	v22 =	vmul.f32 $1.442695020e+00, v5;
	v5 =	vld [tilespmem:s29+$0xFFFFFFE0];
	(erf) = vrcp.f32 v17;
	v2 =	vsub.f32 $0.0e+00, v2  }
0x141: {  	v18 =	vld [tilespmem:s29+$0x20];
	v11 =	vmul.f32 $1.442695020e+00, v11;
	v1 =	vadd.f32 $1.000000000e+00, v1;
	v17 =	vpop (erf);
	(erf) = vrcp.f32 v7  }
0x142: {  	v15 =	vmul.f32 $1.442695020e+00, v15;
	v7 =	vsub.f32 $0.0e+00, v6;
	v24 =	vpop (erf);
	(erf) = vpow2.f32 v14  }
0x143: {  	v6 =	vadd.f32 $1.000000000e+00, v16;
	v4 =	vsub.f32 $0.0e+00, v4;
	v16 =	vpop (erf);
	(erf) = vrcp.f32 v1  }
0x144: {  	v19 =	vsub.f32 $0.0e+00, v19;
	v14 =	vld [tilespmem:s29+$0xFFFFFFF0];
	v3 =	vmul.f32 $1.442695020e+00, v2;
	(erf) = vpow2.f32 v10;
	v2 =	vpop (erf)  }
0x145: {  	v1 =	vmul.f32 $1.442695020e+00, v4;
	v4 =	vsub.f32 $0.0e+00, v5;
	(erf) = vpow2.f32 v12;
	v12 =	vpop (erf)  }
0x146: {  	v10 =	vmul.f32 $1.442695020e+00, v7;
	v5 =	vsub.f32 $0.0e+00, v18;
	v25 =	vpop (erf);
	(erf) = vrcp.f32 v8  }
0x147: {  	v4 =	vmul.f32 $1.442695020e+00, v4;
	v8 =	vadd.f32 $1.000000000e+00, v9;
	(erf) = vpow2.f32 v11;
	v9 =	vpop (erf)  }
0x148: {  	[tilespmem:s28+$0xFFFFFFA0] =	vst v17;
	v17 =	vadd.f32 $1.000000000e+00, v2;
	v7 =	vmul.f32 $1.442695020e+00, v5;
	(erf) = vpow2.f32 v15;
	v18 =	vpop (erf)  }
0x149: {  	v5 =	vmul.f32 $1.442695020e+00, v19;
	v11 =	vsub.f32 $0.0e+00, v14;
	(erf) = vpow2.f32 v10;
	v19 =	vpop (erf)  }
0x14a: {  	v12 =	vadd.f32 $1.000000000e+00, v12;
	v14 =	vadd.f32 $1.000000000e+00, v16;
	(erf) = vpow2.f32 v21;
	v16 =	vpop (erf)  }
0x14b: {  	v15 =	vadd.f32 $1.000000000e+00, v24;
	v10 =	vmul.f32 $1.442695020e+00, v11;
	v2 =	vpop (erf);
	(erf) = vrcp.f32 v8  }
0x14c: {  	v18 =	vadd.f32 $1.000000000e+00, v18;
	[tilespmem:s28+$0x70] =	vst v19;
	v8 =	vadd.f32 $1.000000000e+00, v25;
	(erf) = vpow2.f32 v22;
	v19 =	vpop (erf)  }
0x14d: {  	v11 =	vadd.f32 $1.000000000e+00, v9;
	v9 =	vmul.f32 $1.442695020e+00, v20;
	[tilespmem:s28+$0x50] =	vst v16;
	v20 =	vpop (erf);
	(erf) = vpow2.f32 v23  }
0x14e: {  	s30 =	simm.s32 $0x2;
	s31 =	simm.s32 $0x8480;
	v16 =	vadd.f32 $1.000000000e+00, v13;
	[tilespmem:s28+$0x30] =	vst v19;
	v19 =	vadd.f32 $1.000000000e+00, v20;
	v13 =	vpop (erf);
	(erf) = vrcp.f32 v8  }
.LBB2_6:
0x14f: {  	v20 =	vld [tilespmem:s31+$0xFFFFFFA0];
	s30 =	sadd.s32 $0x2, s30;
	(erf) = vrcp.f32 v18;
	v18 =	vpop (erf)  }
0x150: {  	v21 =	vld [tilespmem:s31+$0xFFFFFF80];
	p0 =	slt.u32 s30, $0x7E;
	v8 =	vpop (erf);
	[tilespmem:s28+$0x0] =	vst v18;
	(erf) = vrcp.f32 v17  }
0x151: {  	v17 =	vld [tilespmem:s31+$0x70];
	v18 =	vpop (erf);
	(erf) = vrcp.f32 v15  }
0x152: {  	v15 =	vld [tilespmem:s31+$0x60];
	v22 =	vpop (erf);
	(erf) = vrcp.f32 v19  }
0x153: {  	v26 =	vadd.f32 $1.000000000e+00, v0;
	v0 =	vmov v13;
	v19 =	vld [tilespmem:s31+$0x50];
	v23 =	vpop (erf);
	(erf) = vrcp.f32 v14  }
0x154: {  	v13 =	vsub.f32 $0.0e+00, v20;
	v14 =	vld [tilespmem:s31+$0x40];
	v20 =	vadd.f32 $1.000000000e+00, v23;
	(erf) = vrcp.f32 v6;
	v6 =	vpop (erf)  }
0x155: {  	v18 =	vadd.f32 $1.000000000e+00, v18;
	v21 =	vsub.f32 $0.0e+00, v21;
	v23 =	vld [tilespmem:s31+$0x30];
	v25 =	vpop (erf);
	[tilespmem:s28+$0x40] =	vst v6;
	(erf) = vrcp.f32 v26  }
0x156: {  	v13 =	vmul.f32 $1.442695020e+00, v13;
	v6 =	vld [tilespmem:s31+$0x0];
	v17 =	vsub.f32 $0.0e+00, v17;
	v24 =	vpop (erf);
	(erf) = vrcp.f32 v12  }
0x157: {  	v12 =	vmul.f32 $1.442695020e+00, v21;
	v21 =	vld [tilespmem:s31+$0x10];
	v15 =	vsub.f32 $0.0e+00, v15;
	(erf) = vpow2.f32 v10;
	v10 =	vpop (erf)  }
0x158: {  	v26 =	vld [tilespmem:s31+$0xFFFFFFD0];
	v27 =	vmul.f32 $1.442695020e+00, v17;
	v17 =	vadd.f32 $1.000000000e+00, v25;
	[tilespmem:s28+$0xFFFFFFE0] =	vst v10;
	v10 =	vpop (erf);
	(erf) = vrcp.f32 v16  }
0x159: {  	v16 =	vld [tilespmem:s31+$0xFFFFFF90];
	v14 =	vsub.f32 $0.0e+00, v14;
	v25 =	vmul.f32 $1.442695020e+00, v15;
	[tilespmem:s28+$0xFFFFFFB0] =	vst v10;
	(erf) = vrcp.f32 v11;
	v10 =	vpop (erf)  }
0x15a: {  	v15 =	vsub.f32 $0.0e+00, v19;
	v19 =	vadd.f32 $1.000000000e+00, v24;
	v11 =	vld [tilespmem:s31+$0xFFFFFFB0];
	(erf) = vpow2.f32 v7;
	[tilespmem:s28+$0xFFFFFFD0] =	vst v10;
	v7 =	vpop (erf)  }
0x15b: {  	v23 =	vsub.f32 $0.0e+00, v23;
	v10 =	vld [tilespmem:s31+$0xFFFFFFC0];
	v14 =	vmul.f32 $1.442695020e+00, v14;
	v24 =	vpop (erf);
	(erf) = vpow2.f32 v3;
	[tilespmem:s28+$0xFFFFFFF0] =	vst v7  }
0x15c: {  	v29 =	vsub.f32 $0.0e+00, v6;
	v28 =	vmul.f32 $1.442695020e+00, v15;
	[tilespmem:s29+$0xFFFFFFA0] =	vst v24;
	(erf) = vpow2.f32 v9;
	v6 =	vpop (erf)  }
0x15d: {  	v23 =	vmul.f32 $1.442695020e+00, v23;
	v7 =	vsub.f32 $0.0e+00, v26;
	v9 =	vld [tilespmem:s31+$0xFFFFFFE0];
	(erf) = vpow2.f32 v4;
	[tilespmem:s28+$0x20] =	vst v6;
	v4 =	vpop (erf)  }
0x15e: {  	v21 =	vsub.f32 $0.0e+00, v21;
	v24 =	vmul.f32 $1.442695020e+00, v29;
	v15 =	vld [tilespmem:s31+$0x20];
	(erf) = vpow2.f32 v5;
	[tilespmem:s28+$0xFFFFFF90] =	vst v4;
	v3 =	vpop (erf)  }
0x15f: {  	v6 =	vadd.f32 $1.000000000e+00, v22;
	v4 =	vsub.f32 $0.0e+00, v16;
	(erf) = vpow2.f32 v1;
	[tilespmem:s28+$0xFFFFFF80] =	vst v3;
	v1 =	vpop (erf)  }
0x160: {  	v5 =	vsub.f32 $0.0e+00, v11;
	v10 =	vsub.f32 $0.0e+00, v10;
	v11 =	vld [tilespmem:s31+$0xFFFFFFF0];
	v16 =	vpop (erf);
	(erf) = vrcp.f32 v20;
	[tilespmem:s28+$0x10] =	vst v1  }
0x161: {  	v3 =	vmul.f32 $1.442695020e+00, v7;
	(erf) = vrcp.f32 v17;
	v7 =	vpop (erf)  }
0x162: {  	v1 =	vmul.f32 $1.442695020e+00, v5;
	v5 =	vsub.f32 $0.0e+00, v9;
	(erf) = vpow2.f32 v14;
	[tilespmem:s28+$0x60] =	vst v7;
	v7 =	vpop (erf)  }
0x163: {  	v9 =	vmul.f32 $1.442695020e+00, v4;
	v14 =	vsub.f32 $0.0e+00, v15;
	v17 =	vpop (erf);
	(erf) = vrcp.f32 v19;
	[tilespmem:s28+$0xFFFFFFC0] =	vst v7;
	s28 =	smov.u32 s29;
	s29 =	smov.u32 s31  }
0x164: {  	v4 =	vmul.f32 $1.442695020e+00, v5;
	(erf) = vpow2.f32 v13;
	v13 =	vadd.f32 $1.000000000e+00, v2;
	v2 =	vpop (erf)  }
0x165: {  	v19 =	vsub.f32 $0.0e+00, v11;
	v7 =	vmul.f32 $1.442695020e+00, v14;
	(erf) = vpow2.f32 v12;
	v12 =	vpop (erf)  }
0x166: {  	v15 =	vadd.f32 $1.000000000e+00, v16;
	v5 =	vmul.f32 $1.442695020e+00, v10;
	v16 =	vpop (erf);
	(erf) = vrcp.f32 v18  }
0x167: {  	v14 =	vadd.f32 $1.000000000e+00, v17;
	v10 =	vmul.f32 $1.442695020e+00, v19;
	(erf) = vpow2.f32 v25;
	v11 =	vpop (erf)  }
0x168: {  	v17 =	vadd.f32 $1.000000000e+00, v2;
	v12 =	vadd.f32 $1.000000000e+00, v12;
	(erf) = vpow2.f32 v24;
	v2 =	vpop (erf)  }
0x169: {  	v11 =	vadd.f32 $1.000000000e+00, v11;
	(erf) = vpow2.f32 v9;
	v18 =	vadd.f32 $1.000000000e+00, v2;
	v2 =	vpop (erf)  }
.Ltmp2:
0x16a: {  	v20 =	vadd.f32 $1.000000000e+00, v16;
	(erf) = vpow2.f32 v27;
	[tilespmem:s28+$0x70] =	vst v2;
	v9 =	vpop (erf);
	(pc) =	sbr.rel @p0 .LBB2_6-.Ltmp2, $4  }
0x16b: {  	v2 =	vpop (erf);
	[tilespmem:s28+$0x50] =	vst v9;
	(erf) = vrcp.f32 v13  }
0x16c: {  	(erf) = vpow2.f32 v28;
	v13 =	vpop (erf)  }
0x16d: {  	v16 =	vadd.f32 $1.000000000e+00, v8;
	v9 =	vmul.f32 $1.442695020e+00, v21;
	v19 =	vpop (erf);
	(erf) = vpow2.f32 v23;
	[tilespmem:s28+$0x30] =	vst v13  }
0x16e: {  	s31 =	sadd.s32 $0x100, s31;
	v19 =	vadd.f32 $1.000000000e+00, v19;
	v13 =	vpop (erf);
	(erf) = vrcp.f32 v20  }
0x16f: {  	(erf) = vrcp.f32 v18;
	v8 =	vpop (erf)  }
0x170: {  	v18 =	vpop (erf);
	(erf) = vrcp.f32 v17  }
0x171: {  	v17 =	vpop (erf);
	(erf) = vrcp.f32 v15  }
0x172: {  	v0 =	vadd.f32 $1.000000000e+00, v0;
	v15 =	vpop (erf);
	(erf) = vrcp.f32 v19  }
0x173: {  	v19 =	vpop (erf);
	(erf) = vrcp.f32 v14  }
0x174: {  	(erf) = vrcp.f32 v6;
	v6 =	vpop (erf)  }
0x175: {  	v14 =	vpop (erf);
	(erf) = vrcp.f32 v0  }
0x176: {  	v0 =	vpop (erf);
	(erf) = vrcp.f32 v12  }
0x177: {  	(erf) = vpow2.f32 v10;
	v10 =	vpop (erf)  }
0x178: {  	v12 =	vpop (erf);
	(erf) = vrcp.f32 v16  }
0x179: {  	(erf) = vrcp.f32 v11;
	v11 =	vpop (erf)  }
0x17a: {  	(erf) = vpow2.f32 v7;
	v7 =	vpop (erf)  }
0x17b: {  	v16 =	vpop (erf);
	(erf) = vpow2.f32 v3  }
0x17c: {  	(erf) = vpow2.f32 v9;
	v3 =	vpop (erf)  }
0x17d: {  	(erf) = vpow2.f32 v4;
	v4 =	vpop (erf)  }
0x17e: {  	(erf) = vpow2.f32 v5;
	v5 =	vpop (erf)  }
0x17f: {  	(erf) = vpow2.f32 v1;
	v1 =	vpop (erf)  }
0x180: {  	v9 =	vpop (erf)  }
0x181: {  	v20 =	vpop (erf)  }
0x182: {  	[tilespmem:s28+$0x0] =	vst v8;
	v8 =	vpop (erf)  }
0x183: {  	v19 =	vadd.f32 $1.000000000e+00, v19;
	[tilespmem:s28+$0x40] =	vst v6;
	v6 =	vpop (erf)  }
0x184: {  	v14 =	vadd.f32 $1.000000000e+00, v14;
	[tilespmem:s28+$0xFFFFFFE0] =	vst v10;
	v10 =	vpop (erf)  }
0x185: {  	v0 =	vadd.f32 $1.000000000e+00, v0;
	[tilespmem:s28+$0xFFFFFFB0] =	vst v12;
	(erf) = vrcp.f32 v19;
	v12 =	vpop (erf)  }
0x186: {  	v17 =	vadd.f32 $1.000000000e+00, v17;
	[tilespmem:s28+$0xFFFFFFD0] =	vst v11;
	(erf) = vrcp.f32 v14;
	v11 =	vpop (erf)  }
0x187: {  	[tilespmem:s28+$0xFFFFFFF0] =	vst v7;
	(erf) = vrcp.f32 v0;
	v0 =	vadd.f32 $1.000000000e+00, v2;
	v2 =	vpop (erf)  }
0x188: {  	[tilespmem:s29+$0xFFFFFFA0] =	vst v16;
	(erf) = vrcp.f32 v17;
	v11 =	vadd.f32 $1.000000000e+00, v11;
	v7 =	vpop (erf)  }
0x189: {  	[tilespmem:s28+$0x20] =	vst v3;
	(erf) = vrcp.f32 v0;
	v3 =	vadd.f32 $1.000000000e+00, v7  }
0x18a: {  	[tilespmem:s28+$0xFFFFFF90] =	vst v4;
	v0 =	vadd.f32 $1.000000000e+00, v10;
	(erf) = vrcp.f32 v11  }
0x18b: {  	[tilespmem:s28+$0xFFFFFF80] =	vst v5;
	v4 =	vadd.f32 $1.000000000e+00, v9;
	(erf) = vrcp.f32 v3  }
0x18c: {  	[tilespmem:s28+$0x10] =	vst v1;
	v1 =	vadd.f32 $1.000000000e+00, v6;
	(erf) = vrcp.f32 v0;
	v0 =	vadd.f32 $1.000000000e+00, v15  }
0x18d: {  	[tilespmem:s28+$0x60] =	vst v20;
	(erf) = vrcp.f32 v4  }
0x18e: {  	[tilespmem:s28+$0xFFFFFFC0] =	vst v8;
	v3 =	vpop (erf);
	v4 =	vadd.f32 $1.000000000e+00, v13;
	(erf) = vrcp.f32 v1  }
0x18f: {  	v1 =	vadd.f32 $1.000000000e+00, v12;
	[tilespmem:s29+$0x70] =	vst v3;
	v3 =	vpop (erf);
	(erf) = vrcp.f32 v0  }
0x190: {  	[tilespmem:s29+$0x50] =	vst v3;
	v3 =	vadd.f32 $1.000000000e+00, v18;
	v0 =	vpop (erf);
	(erf) = vrcp.f32 v4  }
0x191: {  	v2 =	vadd.f32 $1.000000000e+00, v2;
	[tilespmem:s29+$0x30] =	vst v0;
	v0 =	vpop (erf);
	(erf) = vrcp.f32 v1  }
0x192: {  	[tilespmem:s29+$0x0] =	vst v0;
	v0 =	vpop (erf);
	(erf) = vrcp.f32 v3  }
0x193: {  	[tilespmem:s29+$0x40] =	vst v0;
	v0 =	vpop (erf);
	(erf) = vrcp.f32 v2  }
0x194: {  	[tilespmem:s29+$0xFFFFFFE0] =	vst v0;
	v0 =	vpop (erf)  }
0x195: {  	[tilespmem:s29+$0xFFFFFFB0] =	vst v0;
	v0 =	vpop (erf)  }
0x196: {  	[tilespmem:s29+$0xFFFFFFD0] =	vst v0;
	v0 =	vpop (erf)  }
0x197: {  	[tilespmem:s29+$0xFFFFFFF0] =	vst v0;
	v0 =	vpop (erf)  }
0x198: {  	[tilespmem:s29+$0x20] =	vst v0;
	v0 =	vpop (erf)  }
0x199: {  	[tilespmem:s29+$0xFFFFFF90] =	vst v0;
	v0 =	vpop (erf)  }
0x19a: {  	[tilespmem:s29+$0xFFFFFF80] =	vst v0;
	v0 =	vpop (erf)  }
0x19b: {  	[tilespmem:s29+$0x10] =	vst v0;
	v0 =	vpop (erf)  }
0x19c: {  	[tilespmem:s29+$0x60] =	vst v0;
	v0 =	vpop (erf)  }
0x19d: {  	[tilespmem:s29+$0xFFFFFFC0] =	vst v0  }
0x19e: {  	[hbm4b:s7+s3] =	stream.linear.scatter [tilespmem:s15], [sflag:$0x7], $0x4000, $0x38;
	[tilespmem:$0x10200] =	vst v63  }
0x19f: {  	_ =	swait.ge [sflag:s21], $0x4000  }
0x1a0: {  	[sflag:s21] =	ssyncset.done $0x0  }
0x1a1: {  	s28 =	simm.s32 $0xC280;
	[sflag:s21] =	ssyncadd.s32 $0xFFFFC000  }
0x1a2: {  	v0 =	vld [tilespmem:s28+$0x40]  }
0x1a3: {  	v1 =	vld [tilespmem:s28+$0xFFFFFFA0]  }
0x1a4: {  	v2 =	vld [tilespmem:s28+$0xFFFFFF80]  }
0x1a5: {  	v3 =	vld [tilespmem:s28+$0x60]  }
0x1a6: {  	v4 =	vld [tilespmem:s28+$0x0]  }
0x1a7: {  	v5 =	vld [tilespmem:s28+$0xFFFFFF90];
	v0 =	vsub.f32 $0.0e+00, v0  }
0x1a8: {  	v6 =	vld [tilespmem:s28+$0x70];
	v1 =	vsub.f32 $0.0e+00, v1  }
0x1a9: {  	v7 =	vld [tilespmem:s28+$0x50];
	v2 =	vsub.f32 $0.0e+00, v2;
	v0 =	vmul.f32 $1.442695020e+00, v0  }
0x1aa: {  	s29 =	simm.s32 $0xC380;
	v8 =	vld [tilespmem:s28+$0xFFFFFFF0];
	v3 =	vsub.f32 $0.0e+00, v3;
	v1 =	vmul.f32 $1.442695020e+00, v1  }
0x1ab: {  	v10 =	vld [tilespmem:s29+$0xFFFFFFA0];
	v4 =	vsub.f32 $0.0e+00, v4;
	v2 =	vmul.f32 $1.442695020e+00, v2;
	(erf) = vpow2.f32 v0  }
0x1ac: {  	v14 =	vld [tilespmem:s29+$0x70];
	v5 =	vsub.f32 $0.0e+00, v5;
	v3 =	vmul.f32 $1.442695020e+00, v3;
	(erf) = vpow2.f32 v1  }
0x1ad: {  	v12 =	vld [tilespmem:s29+$0xFFFFFF80];
	v4 =	vmul.f32 $1.442695020e+00, v4;
	(erf) = vpow2.f32 v2  }
0x1ae: {  	v18 =	vld [tilespmem:s29+$0x40];
	v5 =	vmul.f32 $1.442695020e+00, v5;
	(erf) = vpow2.f32 v3  }
0x1af: {  	v8 =	vsub.f32 $0.0e+00, v8;
	v0 =	vld [tilespmem:s28+$0x30];
	(erf) = vpow2.f32 v4  }
0x1b0: {  	v19 =	vld [tilespmem:s29+$0x30];
	v1 =	vsub.f32 $0.0e+00, v6;
	(erf) = vpow2.f32 v5;
	v5 =	vsub.f32 $0.0e+00, v7  }
0x1b1: {  	v10 =	vsub.f32 $0.0e+00, v10;
	v14 =	vsub.f32 $0.0e+00, v14;
	v6 =	vld [tilespmem:s28+$0x10]  }
0x1b2: {  	v12 =	vsub.f32 $0.0e+00, v12;
	v1 =	vmul.f32 $1.442695020e+00, v1;
	v7 =	vld [tilespmem:s28+$0x20];
	v5 =	vmul.f32 $1.442695020e+00, v5  }
0x1b3: {  	v8 =	vmul.f32 $1.442695020e+00, v8;
	v21 =	vmul.f32 $1.442695020e+00, v14;
	v14 =	vsub.f32 $0.0e+00, v18;
	v2 =	vld [tilespmem:s28+$0xFFFFFFD0]  }
0x1b4: {  	v10 =	vmul.f32 $1.442695020e+00, v10;
	v0 =	vsub.f32 $0.0e+00, v0;
	(erf) = vpow2.f32 v1  }
0x1b5: {  	v12 =	vmul.f32 $1.442695020e+00, v12;
	v18 =	vsub.f32 $0.0e+00, v19;
	v14 =	vmul.f32 $1.442695020e+00, v14;
	v4 =	vld [tilespmem:s28+$0xFFFFFFE0];
	v9 =	vpop (erf)  }
0x1b6: {  	v1 =	vld [tilespmem:s28+$0xFFFFFFC0];
	v6 =	vsub.f32 $0.0e+00, v6;
	v11 =	vmul.f32 $1.442695020e+00, v0;
	(erf) = vpow2.f32 v5;
	v5 =	vpop (erf)  }
0x1b7: {  	v23 =	vmul.f32 $1.442695020e+00, v18;
	v3 =	vld [tilespmem:s28+$0xFFFFFFB0];
	v7 =	vsub.f32 $0.0e+00, v7;
	v5 =	vadd.f32 $1.000000000e+00, v5  }
0x1b8: {  	v20 =	vld [tilespmem:s29+$0x10];
	v2 =	vsub.f32 $0.0e+00, v2;
	v6 =	vmul.f32 $1.442695020e+00, v6;
	(erf) = vpow2.f32 v11;
	v0 =	vpop (erf)  }
0x1b9: {  	v11 =	vld [tilespmem:s29+$0x60];
	v7 =	vmul.f32 $1.442695020e+00, v7;
	v13 =	vpop (erf);
	(erf) = vrcp.f32 v5  }
0x1ba: {  	v4 =	vsub.f32 $0.0e+00, v4;
	v2 =	vmul.f32 $1.442695020e+00, v2;
	v15 =	vpop (erf);
	v5 =	vld [tilespmem:s29+$0x50];
	(erf) = vpow2.f32 v8  }
0x1bb: {  	v1 =	vsub.f32 $0.0e+00, v1;
	v8 =	vadd.f32 $1.000000000e+00, v15;
	v15 =	vld [tilespmem:s29+$0x0];
	(erf) = vpow2.f32 v7  }
0x1bc: {  	v3 =	vsub.f32 $0.0e+00, v3;
	v4 =	vmul.f32 $1.442695020e+00, v4;
	v16 =	vpop (erf);
	(erf) = vpow2.f32 v2;
	v2 =	vld [tilespmem:s29+$0xFFFFFFD0]  }
0x1bd: {  	v20 =	vsub.f32 $0.0e+00, v20;
	v1 =	vmul.f32 $1.442695020e+00, v1;
	v17 =	vpop (erf);
	(erf) = vpow2.f32 v6  }
0x1be: {  	v3 =	vmul.f32 $1.442695020e+00, v3;
	v17 =	vadd.f32 $1.000000000e+00, v17;
	v6 =	vld [tilespmem:s29+$0xFFFFFF90];
	(erf) = vpow2.f32 v4  }
0x1bf: {  	v11 =	vsub.f32 $0.0e+00, v11;
	v7 =	vpop (erf);
	v5 =	vsub.f32 $0.0e+00, v5;
	v4 =	vld [tilespmem:s29+$0xFFFFFFB0];
	(erf) = vpow2.f32 v1  }
0x1c0: {  	v19 =	vld [tilespmem:s29+$0xFFFFFFC0];
	v7 =	vadd.f32 $1.000000000e+00, v7;
	v15 =	vsub.f32 $0.0e+00, v15;
	(erf) = vpow2.f32 v3  }
0x1c1: {  	v1 =	vpop (erf);
	v22 =	vmul.f32 $1.442695020e+00, v5;
	v5 =	vld [tilespmem:s29+$0xFFFFFFE0];
	(erf) = vrcp.f32 v17;
	v2 =	vsub.f32 $0.0e+00, v2  }
0x1c2: {  	v18 =	vld [tilespmem:s29+$0x20];
	v11 =	vmul.f32 $1.442695020e+00, v11;
	v1 =	vadd.f32 $1.000000000e+00, v1;
	v17 =	vpop (erf);
	(erf) = vrcp.f32 v7  }
0x1c3: {  	v15 =	vmul.f32 $1.442695020e+00, v15;
	v7 =	vsub.f32 $0.0e+00, v6;
	v24 =	vpop (erf);
	(erf) = vpow2.f32 v14  }
0x1c4: {  	v6 =	vadd.f32 $1.000000000e+00, v16;
	v4 =	vsub.f32 $0.0e+00, v4;
	v16 =	vpop (erf);
	(erf) = vrcp.f32 v1  }
0x1c5: {  	v19 =	vsub.f32 $0.0e+00, v19;
	v14 =	vld [tilespmem:s29+$0xFFFFFFF0];
	v3 =	vmul.f32 $1.442695020e+00, v2;
	(erf) = vpow2.f32 v10;
	v2 =	vpop (erf)  }
0x1c6: {  	v1 =	vmul.f32 $1.442695020e+00, v4;
	v4 =	vsub.f32 $0.0e+00, v5;
	(erf) = vpow2.f32 v12;
	v12 =	vpop (erf)  }
0x1c7: {  	v10 =	vmul.f32 $1.442695020e+00, v7;
	v5 =	vsub.f32 $0.0e+00, v18;
	v25 =	vpop (erf);
	(erf) = vrcp.f32 v8  }
0x1c8: {  	v4 =	vmul.f32 $1.442695020e+00, v4;
	v8 =	vadd.f32 $1.000000000e+00, v9;
	(erf) = vpow2.f32 v11;
	v9 =	vpop (erf)  }
0x1c9: {  	[tilespmem:s28+$0xFFFFFFA0] =	vst v17;
	v17 =	vadd.f32 $1.000000000e+00, v2;
	v7 =	vmul.f32 $1.442695020e+00, v5;
	(erf) = vpow2.f32 v15;
	v18 =	vpop (erf)  }
0x1ca: {  	v5 =	vmul.f32 $1.442695020e+00, v19;
	v11 =	vsub.f32 $0.0e+00, v14;
	(erf) = vpow2.f32 v10;
	v19 =	vpop (erf)  }
0x1cb: {  	v12 =	vadd.f32 $1.000000000e+00, v12;
	v14 =	vadd.f32 $1.000000000e+00, v16;
	(erf) = vpow2.f32 v21;
	v16 =	vpop (erf)  }
0x1cc: {  	v15 =	vadd.f32 $1.000000000e+00, v24;
	v10 =	vmul.f32 $1.442695020e+00, v11;
	v2 =	vpop (erf);
	(erf) = vrcp.f32 v8  }
0x1cd: {  	v18 =	vadd.f32 $1.000000000e+00, v18;
	[tilespmem:s28+$0x70] =	vst v19;
	v8 =	vadd.f32 $1.000000000e+00, v25;
	(erf) = vpow2.f32 v22;
	v19 =	vpop (erf)  }
0x1ce: {  	v11 =	vadd.f32 $1.000000000e+00, v9;
	v9 =	vmul.f32 $1.442695020e+00, v20;
	[tilespmem:s28+$0x50] =	vst v16;
	v20 =	vpop (erf);
	(erf) = vpow2.f32 v23  }
0x1cf: {  	s30 =	simm.s32 $0x2;
	s31 =	simm.s32 $0xC480;
	v16 =	vadd.f32 $1.000000000e+00, v13;
	[tilespmem:s28+$0x30] =	vst v19;
	v19 =	vadd.f32 $1.000000000e+00, v20;
	v13 =	vpop (erf);
	(erf) = vrcp.f32 v8  }
.LBB2_8:
0x1d0: {  	v20 =	vld [tilespmem:s31+$0xFFFFFFA0];
	s30 =	sadd.s32 $0x2, s30;
	(erf) = vrcp.f32 v18;
	v18 =	vpop (erf)  }
0x1d1: {  	v21 =	vld [tilespmem:s31+$0xFFFFFF80];
	p0 =	slt.u32 s30, $0x7E;
	v8 =	vpop (erf);
	[tilespmem:s28+$0x0] =	vst v18;
	(erf) = vrcp.f32 v17  }
0x1d2: {  	v17 =	vld [tilespmem:s31+$0x70];
	v18 =	vpop (erf);
	(erf) = vrcp.f32 v15  }
0x1d3: {  	v15 =	vld [tilespmem:s31+$0x60];
	v22 =	vpop (erf);
	(erf) = vrcp.f32 v19  }
0x1d4: {  	v26 =	vadd.f32 $1.000000000e+00, v0;
	v0 =	vmov v13;
	v19 =	vld [tilespmem:s31+$0x50];
	v23 =	vpop (erf);
	(erf) = vrcp.f32 v14  }
0x1d5: {  	v13 =	vsub.f32 $0.0e+00, v20;
	v14 =	vld [tilespmem:s31+$0x40];
	v20 =	vadd.f32 $1.000000000e+00, v23;
	(erf) = vrcp.f32 v6;
	v6 =	vpop (erf)  }
0x1d6: {  	v18 =	vadd.f32 $1.000000000e+00, v18;
	v21 =	vsub.f32 $0.0e+00, v21;
	v23 =	vld [tilespmem:s31+$0x30];
	v25 =	vpop (erf);
	[tilespmem:s28+$0x40] =	vst v6;
	(erf) = vrcp.f32 v26  }
0x1d7: {  	v13 =	vmul.f32 $1.442695020e+00, v13;
	v6 =	vld [tilespmem:s31+$0x0];
	v17 =	vsub.f32 $0.0e+00, v17;
	v24 =	vpop (erf);
	(erf) = vrcp.f32 v12  }
0x1d8: {  	v12 =	vmul.f32 $1.442695020e+00, v21;
	v21 =	vld [tilespmem:s31+$0x10];
	v15 =	vsub.f32 $0.0e+00, v15;
	(erf) = vpow2.f32 v10;
	v10 =	vpop (erf)  }
0x1d9: {  	v26 =	vld [tilespmem:s31+$0xFFFFFFD0];
	v27 =	vmul.f32 $1.442695020e+00, v17;
	v17 =	vadd.f32 $1.000000000e+00, v25;
	[tilespmem:s28+$0xFFFFFFE0] =	vst v10;
	v10 =	vpop (erf);
	(erf) = vrcp.f32 v16  }
0x1da: {  	v16 =	vld [tilespmem:s31+$0xFFFFFF90];
	v14 =	vsub.f32 $0.0e+00, v14;
	v25 =	vmul.f32 $1.442695020e+00, v15;
	[tilespmem:s28+$0xFFFFFFB0] =	vst v10;
	(erf) = vrcp.f32 v11;
	v10 =	vpop (erf)  }
0x1db: {  	v15 =	vsub.f32 $0.0e+00, v19;
	v19 =	vadd.f32 $1.000000000e+00, v24;
	v11 =	vld [tilespmem:s31+$0xFFFFFFB0];
	(erf) = vpow2.f32 v7;
	[tilespmem:s28+$0xFFFFFFD0] =	vst v10;
	v7 =	vpop (erf)  }
0x1dc: {  	v23 =	vsub.f32 $0.0e+00, v23;
	v10 =	vld [tilespmem:s31+$0xFFFFFFC0];
	v14 =	vmul.f32 $1.442695020e+00, v14;
	v24 =	vpop (erf);
	(erf) = vpow2.f32 v3;
	[tilespmem:s28+$0xFFFFFFF0] =	vst v7  }
0x1dd: {  	v29 =	vsub.f32 $0.0e+00, v6;
	v28 =	vmul.f32 $1.442695020e+00, v15;
	[tilespmem:s29+$0xFFFFFFA0] =	vst v24;
	(erf) = vpow2.f32 v9;
	v6 =	vpop (erf)  }
0x1de: {  	v23 =	vmul.f32 $1.442695020e+00, v23;
	v7 =	vsub.f32 $0.0e+00, v26;
	v9 =	vld [tilespmem:s31+$0xFFFFFFE0];
	(erf) = vpow2.f32 v4;
	[tilespmem:s28+$0x20] =	vst v6;
	v4 =	vpop (erf)  }
0x1df: {  	v21 =	vsub.f32 $0.0e+00, v21;
	v24 =	vmul.f32 $1.442695020e+00, v29;
	v15 =	vld [tilespmem:s31+$0x20];
	(erf) = vpow2.f32 v5;
	[tilespmem:s28+$0xFFFFFF90] =	vst v4;
	v3 =	vpop (erf)  }
0x1e0: {  	v6 =	vadd.f32 $1.000000000e+00, v22;
	v4 =	vsub.f32 $0.0e+00, v16;
	(erf) = vpow2.f32 v1;
	[tilespmem:s28+$0xFFFFFF80] =	vst v3;
	v1 =	vpop (erf)  }
0x1e1: {  	v5 =	vsub.f32 $0.0e+00, v11;
	v10 =	vsub.f32 $0.0e+00, v10;
	v11 =	vld [tilespmem:s31+$0xFFFFFFF0];
	v16 =	vpop (erf);
	(erf) = vrcp.f32 v20;
	[tilespmem:s28+$0x10] =	vst v1  }
0x1e2: {  	v3 =	vmul.f32 $1.442695020e+00, v7;
	(erf) = vrcp.f32 v17;
	v7 =	vpop (erf)  }
0x1e3: {  	v1 =	vmul.f32 $1.442695020e+00, v5;
	v5 =	vsub.f32 $0.0e+00, v9;
	(erf) = vpow2.f32 v14;
	[tilespmem:s28+$0x60] =	vst v7;
	v7 =	vpop (erf)  }
0x1e4: {  	v9 =	vmul.f32 $1.442695020e+00, v4;
	v14 =	vsub.f32 $0.0e+00, v15;
	v17 =	vpop (erf);
	(erf) = vrcp.f32 v19;
	[tilespmem:s28+$0xFFFFFFC0] =	vst v7;
	s28 =	smov.u32 s29;
	s29 =	smov.u32 s31  }
0x1e5: {  	v4 =	vmul.f32 $1.442695020e+00, v5;
	(erf) = vpow2.f32 v13;
	v13 =	vadd.f32 $1.000000000e+00, v2;
	v2 =	vpop (erf)  }
0x1e6: {  	v19 =	vsub.f32 $0.0e+00, v11;
	v7 =	vmul.f32 $1.442695020e+00, v14;
	(erf) = vpow2.f32 v12;
	v12 =	vpop (erf)  }
0x1e7: {  	v15 =	vadd.f32 $1.000000000e+00, v16;
	v5 =	vmul.f32 $1.442695020e+00, v10;
	v16 =	vpop (erf);
	(erf) = vrcp.f32 v18  }
0x1e8: {  	v14 =	vadd.f32 $1.000000000e+00, v17;
	v10 =	vmul.f32 $1.442695020e+00, v19;
	(erf) = vpow2.f32 v25;
	v11 =	vpop (erf)  }
0x1e9: {  	v17 =	vadd.f32 $1.000000000e+00, v2;
	v12 =	vadd.f32 $1.000000000e+00, v12;
	(erf) = vpow2.f32 v24;
	v2 =	vpop (erf)  }
0x1ea: {  	v11 =	vadd.f32 $1.000000000e+00, v11;
	(erf) = vpow2.f32 v9;
	v18 =	vadd.f32 $1.000000000e+00, v2;
	v2 =	vpop (erf)  }
.Ltmp3:
0x1eb: {  	v20 =	vadd.f32 $1.000000000e+00, v16;
	(erf) = vpow2.f32 v27;
	[tilespmem:s28+$0x70] =	vst v2;
	v9 =	vpop (erf);
	(pc) =	sbr.rel @p0 .LBB2_8-.Ltmp3, $4  }
0x1ec: {  	v2 =	vpop (erf);
	[tilespmem:s28+$0x50] =	vst v9;
	(erf) = vrcp.f32 v13  }
0x1ed: {  	(erf) = vpow2.f32 v28;
	v13 =	vpop (erf)  }
0x1ee: {  	v16 =	vadd.f32 $1.000000000e+00, v8;
	v9 =	vmul.f32 $1.442695020e+00, v21;
	v19 =	vpop (erf);
	(erf) = vpow2.f32 v23;
	[tilespmem:s28+$0x30] =	vst v13  }
0x1ef: {  	s31 =	sadd.s32 $0x100, s31;
	v19 =	vadd.f32 $1.000000000e+00, v19;
	v13 =	vpop (erf);
	(erf) = vrcp.f32 v20  }
0x1f0: {  	(erf) = vrcp.f32 v18;
	v8 =	vpop (erf)  }
0x1f1: {  	v56 =	vpop (erf);
	(erf) = vrcp.f32 v17  }
0x1f2: {  	v57 =	vpop (erf);
	(erf) = vrcp.f32 v15  }
0x1f3: {  	v58 =	vpop (erf);
	(erf) = vrcp.f32 v19  }
0x1f4: {  	v0 =	vadd.f32 $1.000000000e+00, v0;
	v59 =	vpop (erf);
	(erf) = vrcp.f32 v14  }
0x1f5: {  	(erf) = vrcp.f32 v6;
	v60 =	vpop (erf)  }
0x1f6: {  	v61 =	vpop (erf);
	(erf) = vrcp.f32 v0  }
0x1f7: {  	v62 =	vpop (erf);
	(erf) = vrcp.f32 v12  }
0x1f8: {  	(erf) = vpow2.f32 v10;
	v63 =	vpop (erf)  }
0x1f9: {  	v24 =	vpop (erf);
	(erf) = vrcp.f32 v16  }
0x1fa: {  	(erf) = vrcp.f32 v11;
	v25 =	vpop (erf)  }
0x1fb: {  	(erf) = vpow2.f32 v7;
	v26 =	vpop (erf)  }
0x1fc: {  	v27 =	vpop (erf);
	(erf) = vpow2.f32 v3  }
0x1fd: {  	(erf) = vpow2.f32 v9;
	v28 =	vpop (erf)  }
0x1fe: {  	(erf) = vpow2.f32 v4;
	v29 =	vpop (erf)  }
0x1ff: {  	(erf) = vpow2.f32 v5;
	v30 =	vpop (erf)  }
0x200: {  	(erf) = vpow2.f32 v1;
	v31 =	vpop (erf)  }
0x201: {  	v32 =	vpop (erf)  }
0x202: {  	v20 =	vpop (erf)  }
0x203: {  	[tilespmem:s28+$0x0] =	vst v8;
	v33 =	vpop (erf)  }
0x204: {  	v19 =	vadd.f32 $1.000000000e+00, v59;
	[tilespmem:s28+$0x40] =	vst v60;
	v34 =	vpop (erf)  }
0x205: {  	v14 =	vadd.f32 $1.000000000e+00, v61;
	[tilespmem:s28+$0xFFFFFFE0] =	vst v63;
	v35 =	vpop (erf)  }
0x206: {  	v0 =	vadd.f32 $1.000000000e+00, v62;
	[tilespmem:s28+$0xFFFFFFB0] =	vst v24;
	(erf) = vrcp.f32 v19;
	v36 =	vpop (erf)  }
0x207: {  	v17 =	vadd.f32 $1.000000000e+00, v57;
	[tilespmem:s28+$0xFFFFFFD0] =	vst v25;
	(erf) = vrcp.f32 v14;
	v37 =	vpop (erf)  }
0x208: {  	v38 =	vadd.f32 $1.000000000e+00, v2;
	[tilespmem:s28+$0xFFFFFFF0] =	vst v26;
	(erf) = vrcp.f32 v0;
	v39 =	vpop (erf)  }
0x209: {  	[tilespmem:s29+$0xFFFFFFA0] =	vst v27;
	(erf) = vrcp.f32 v17;
	v11 =	vadd.f32 $1.000000000e+00, v37;
	v40 =	vpop (erf)  }
0x20a: {  	[tilespmem:s28+$0x20] =	vst v28;
	(erf) = vrcp.f32 v38;
	v41 =	vadd.f32 $1.000000000e+00, v40  }
0x20b: {  	[tilespmem:s28+$0xFFFFFF90] =	vst v29;
	v42 =	vadd.f32 $1.000000000e+00, v35;
	(erf) = vrcp.f32 v11  }
0x20c: {  	[tilespmem:s28+$0xFFFFFF80] =	vst v30;
	v43 =	vadd.f32 $1.000000000e+00, v32;
	(erf) = vrcp.f32 v41  }
0x20d: {  	[tilespmem:s28+$0x10] =	vst v31;
	v44 =	vadd.f32 $1.000000000e+00, v34;
	(erf) = vrcp.f32 v42  }
0x20e: {  	v45 =	vadd.f32 $1.000000000e+00, v58;
	[tilespmem:s28+$0x60] =	vst v20;
	(erf) = vrcp.f32 v43  }
0x20f: {  	v47 =	vadd.f32 $1.000000000e+00, v13;
	[tilespmem:s28+$0xFFFFFFC0] =	vst v33;
	v46 =	vpop (erf);
	(erf) = vrcp.f32 v44  }
0x210: {  	v48 =	vadd.f32 $1.000000000e+00, v36;
	[tilespmem:s29+$0x70] =	vst v46;
	v49 =	vpop (erf);
	(erf) = vrcp.f32 v45  }
0x211: {  	v51 =	vadd.f32 $1.000000000e+00, v56;
	[tilespmem:s29+$0x50] =	vst v49;
	v50 =	vpop (erf);
	(erf) = vrcp.f32 v47  }
0x212: {  	v2 =	vadd.f32 $1.000000000e+00, v39;
	[tilespmem:s29+$0x30] =	vst v50;
	v52 =	vpop (erf);
	(erf) = vrcp.f32 v48  }
0x213: {  	[tilespmem:s29+$0x0] =	vst v52;
	v53 =	vpop (erf);
	(erf) = vrcp.f32 v51  }
0x214: {  	[tilespmem:s29+$0x40] =	vst v53;
	v54 =	vpop (erf);
	(erf) = vrcp.f32 v2  }
0x215: {  	[tilespmem:s29+$0xFFFFFFE0] =	vst v54;
	v55 =	vpop (erf)  }
0x216: {  	[tilespmem:s29+$0xFFFFFFB0] =	vst v55;
	v56 =	vpop (erf)  }
0x217: {  	[tilespmem:s29+$0xFFFFFFD0] =	vst v56;
	v57 =	vpop (erf)  }
0x218: {  	[tilespmem:s29+$0xFFFFFFF0] =	vst v57;
	v58 =	vpop (erf)  }
0x219: {  	[tilespmem:s29+$0x20] =	vst v58;
	v59 =	vpop (erf)  }
0x21a: {  	[tilespmem:s29+$0xFFFFFF90] =	vst v59;
	v60 =	vpop (erf)  }
0x21b: {  	[tilespmem:s29+$0xFFFFFF80] =	vst v60;
	v61 =	vpop (erf)  }
0x21c: {  	[tilespmem:s29+$0x10] =	vst v61;
	v62 =	vpop (erf)  }
0x21d: {  	[tilespmem:s29+$0x60] =	vst v62;
	v63 =	vpop (erf)  }
0x21e: {  	[tilespmem:s29+$0xFFFFFFC0] =	vst v63  }
0x21f: {  	[hbm4b:s8+s3] =	stream.linear.scatter [tilespmem:s17], [sflag:$0x8], $0x4000, $0x38;
	[tilespmem:$0x10200] =	vst v63  }
0x220: {  	_ =	swait.ge [sflag:s22], $0x4000  }
0x221: {  	[sflag:s22] =	ssyncset.done $0x0  }
0x222: {  	[sflag:s22] =	ssyncadd.s32 $0xFFFFC000  }
0x223: {  	_ =	swait.ge [sflag:s23], $0x4000  }
0x224: {  	[sflag:s23] =	ssyncset.done $0x0  }
0x225: {  	s26 =	sadd.s32 $0x1, s26;
	[sflag:s23] =	ssyncadd.s32 $0xFFFFC000  }
0x226: {  	p0 =	sne.s32 s26, s9;
	_ =	swait.ge [sflag:s24], $0x4000  }
.Ltmp4:
0x227: {  	[sflag:s24] =	ssyncset.done $0x0;
	(pc) =	sbr.rel @p0 .LBB2_1-.Ltmp4, $4  }
0x228: {  	[sflag:s24] =	ssyncadd.s32 $0xFFFFC000  }
0x229: {  	_ =	swait.ge [sflag:s25], $0x4000  }
0x22a: {  	[sflag:s25] =	ssyncset.done $0x0  }
0x22b: {  	[sflag:s25] =	ssyncadd.s32 $0xFFFFC000  }
0x22c: {  	_ =	sfence.sel $0x180000  }
0x22d: {  	[bflag:$0x0] =	sbarrier.arrive $0xFFFF  }
0x22e: {  	p0 =	sne.s32 s2, $0x0;
	_ =	strace $0x90000047  }
0x22f: {  	s0 =	sadd.s32 @!p0 $0x100000, s0;
	[bflag:$0x2] =	sbarrier.arrive $0xFFFF  }
0x230: {  	[sflag:s0] =	ssyncadd.tile.s32 @!p0 $0x1;
	_ =	shalt  }
.Lfunc_end2:
_tile_overlayer_lowered:
.L_overlay_start_2:
0x231: {  	(tag) =	ssettag $0x2  }
0x232: {  	s0 =	rddreg [dreg:$0x0];
	s2 =	stileid.u32  }
0x233: {  	s1 =	rddreg [dreg:$0x1];
	p0 =	sne.s32 s2, $0x0  }
0x234: {  	s3 =	rddreg [dreg:$0x2];
	[bflag:$0x3] =	sbarrier.arrive $0xFFFF;
	s2 =	simm.s32 @!p0 $0x1C09  }
0x235: {  	[timem:s3], [sflag:s2] =	dma.local @!p0 [hbm:s0], s1  }
0x236: {  	s0 =	simm.s32 @!p0 $0x9  }
0x237: {  	_ =	swait.ge @!p0 [sflag:s0], s1  }
0x238: {  	s1 =	ssub.s32 @!p0 $0x0, s1;
	[sflag:s0] =	ssyncset.done @!p0 $0x0  }
0x239: {  	[sflag:s0] =	ssyncadd.s32 @!p0 s1  }
0x23a: {  	[bflag:$0x3] =	sbarrier.arrive $0xFFFF  }
0x23b: {  	_ =	shalt  }

</sc_bundles>
